<compile_context>
chip_gen: v7x
topology: tpu7x:2x2x1
jax: 0.10.2.dev20260603
libtpu: 0.0.44.dev20260713+nightly
codegen_flags: <defaults>
</compile_context>

<pallas_src>
import functools

import jax
import jax.numpy as jnp
from jax import lax
from jax.experimental import pallas as pl
from jax.experimental.pallas import tpu as pltpu
from jax.experimental.pallas import tpu_sc as plsc

_TV = 4096
_K = 2
_LOG2E = 1.4426950408889634
_LN2 = 0.6931471805599453

_CONTRACT0 = (((0,), (0,)), ((), ()))


@functools.lru_cache(maxsize=None)
def _make_sc_gather(V, D, B):
    info = plsc.get_sparse_core_info()
    NC, NS, L = info.num_cores, info.num_subcores, info.num_lanes
    NW = NC * NS
    assert B % (L * NW) == 0 and D == L and 128 % D == 0
    b_per_w = B // NW
    rows_per_line = 128 // D
    mesh = plsc.VectorSubcoreMesh(core_axis_name="c", subcore_axis_name="s")

    @functools.partial(
        pl.kernel,
        mesh=mesh,
        out_type=jax.ShapeDtypeStruct((B, D), jnp.float32),
        scratch_types=[
            pltpu.VMEM((b_per_w,), jnp.int32),
            pltpu.VMEM((b_per_w,), jnp.int32),
            pltpu.VMEM((b_per_w, 128), jnp.float32),
            pltpu.VMEM((b_per_w, D), jnp.float32),
            pltpu.SemaphoreType.DMA,
        ],
        compiler_params=pltpu.CompilerParams(needs_layout_passes=False),
    )
    def gather_kernel(idx_hbm, table_hbm, out_hbm, idx_v, line_v, rows_v,
                      x_v, sem):
        wid = lax.axis_index("s") * NC + lax.axis_index("c")
        base = wid * b_per_w
        pltpu.sync_copy(idx_hbm.at[pl.ds(base, b_per_w)], idx_v)
        for g in range(b_per_w // L):
            iv = idx_v[pl.ds(g * L, L)]
            line_v[pl.ds(g * L, L)] = lax.div(iv, rows_per_line)
        pltpu.async_copy(table_hbm.at[line_v], rows_v, sem).wait()
        for g in range(b_per_w // L):
            iv = idx_v[pl.ds(g * L, L)]
            off = lax.rem(iv, rows_per_line) * D
            row = lax.iota(jnp.int32, L) + g * L
            for k in range(D):
                vals = plsc.load_gather(rows_v, [row, off + k])
                plsc.store_scatter(
                    x_v, [row, jnp.full((L,), k, jnp.int32)], vals
                )
        pltpu.sync_copy(x_v, out_hbm.at[pl.ds(base, b_per_w)])

    return gather_kernel


def _fused_body(xT_ref, W1aug_ref, W2_ref, b2_ref, out_ref, m_scr, s_scr,
                lse_scr, *, V, nj, K, Bc):
    p = pl.program_id(0)
    j = pl.program_id(1)
    TV = W2_ref.shape[1]
    ones_c = jnp.full((1, Bc), 1.0, dtype=jnp.float32)
    ones_v = jnp.full((1, TV), 1.0, dtype=jnp.float32)

    @pl.when(jnp.logical_and(p == 0, j == 0))
    def _init():
        m_scr[...] = jnp.zeros_like(m_scr)
        s_scr[...] = jnp.zeros_like(s_scr)

    def _haug(cols):
        xaug = jnp.concatenate([xT_ref[:, cols], ones_c], axis=0)
        hT = jnp.maximum(
            lax.dot_general(W1aug_ref[...], xaug, _CONTRACT0,
                            preferred_element_type=jnp.float32),
            0.0,
        )
        return jnp.concatenate([hT, ones_c], axis=0)

    @pl.when(p < K)
    def _stats():
        cols = pl.ds(p * Bc, Bc)
        haug_s = jnp.concatenate(
            [_haug(cols) * _LOG2E, -m_scr[0:1, cols]], axis=0
        )
        mask = j * TV + lax.broadcasted_iota(jnp.int32, (1, TV), 1) < V
        w2m = jnp.where(mask, W2_ref[...], 0.0)
        b2m = jnp.where(mask, b2_ref[...], -jnp.inf)
        w2aug = jnp.concatenate([w2m, b2m, ones_v], axis=0)
        t = lax.dot_general(w2aug, haug_s, _CONTRACT0,
                            preferred_element_type=jnp.float32)

        tmax = jnp.max(t, axis=0, keepdims=True)
        rescale = jnp.logical_or(j == 0, jnp.max(tmax) > 60.0)

        @pl.when(jnp.logical_not(rescale))
        def _fast():
            s_scr[0:1, cols] = s_scr[0:1, cols] + jnp.sum(
                jnp.exp2(t), axis=0, keepdims=True
            )

        @pl.when(rescale)
        def _slow():
            shift = jnp.where(j == 0, tmax, jnp.maximum(tmax, 0.0))
            prev = jnp.where(j == 0, 0.0,
                             s_scr[0:1, cols] * jnp.exp2(-shift))
            s_scr[0:1, cols] = prev + jnp.sum(
                jnp.exp2(t - shift), axis=0, keepdims=True
            )
            m_scr[0:1, cols] = m_scr[0:1, cols] + shift

        @pl.when(j == nj - 1)
        def _fin():
            lse_scr[0:1, cols] = (
                m_scr[0:1, cols] + jnp.log2(s_scr[0:1, cols])
            ) * _LN2

    @pl.when(p > 0)
    def _write():
        cols = pl.ds((p - 1) * Bc, Bc)
        haug_w = jnp.concatenate(
            [_haug(cols), -lse_scr[0:1, cols]], axis=0
        )
        w2aug = jnp.concatenate([W2_ref[...], b2_ref[...], ones_v], axis=0)
        out_ref[...] = lax.dot_general(w2aug, haug_w, _CONTRACT0,
                                       preferred_element_type=jnp.float32)


def _mlp_logsoftmax(xT, W1, b1, W2, b2):
    E, B = xT.shape
    H, V = W2.shape
    nj = pl.cdiv(V, _TV)
    Bc = B // _K
    W1aug = jnp.concatenate([W1, b1.reshape(1, H)], axis=0)
    b2r = b2.reshape(1, V)

    full = lambda shape: pl.BlockSpec(shape, lambda p, j: (0, 0))
    out_t = pl.pallas_call(
        functools.partial(_fused_body, V=V, nj=nj, K=_K, Bc=Bc),
        grid=(_K + 1, nj),
        in_specs=[
            full((E, B)),
            full((E + 1, H)),
            pl.BlockSpec((H, _TV), lambda p, j: (0, j)),
            pl.BlockSpec((1, _TV), lambda p, j: (0, j)),
        ],
        out_specs=pl.BlockSpec(
            (_TV, Bc),
            lambda p, j: (jnp.where(p == 0, 0, j), jnp.maximum(p - 1, 0)),
        ),
        out_shape=jax.ShapeDtypeStruct((V, B), jnp.float32),
        scratch_shapes=[
            pltpu.VMEM((8, B), jnp.float32),
            pltpu.VMEM((8, B), jnp.float32),
            pltpu.VMEM((8, B), jnp.float32),
        ],
        compiler_params=pltpu.CompilerParams(
            dimension_semantics=("arbitrary", "arbitrary")
        ),
    )(xT, W1aug, W2, b2r)
    return out_t.T


def kernel(inputs, emb, W1, b1, W2, b2):
    V, E = emb.shape
    (B,) = inputs.shape
    table = emb.reshape(V * E // 128, 128)
    x = _make_sc_gather(V, E, B)(inputs.astype(jnp.int32), table)
    return _mlp_logsoftmax(x.T, W1, b1, W2, b2)

# --- scband reference (transcript-rebuilt; emitter-appended) ---
"""Pipeline reference for scband-char-rnn-7481833030294 (READ-ONLY COPY).

The authoritative reference and input builder live on the scoring server;
editing this copy changes nothing except your own understanding.
"""

import jax, jax.numpy as jnp
import numpy as np

N_TOKENS = 100000
EMB = 16
HID = 32
PAD_ID = 0
BATCH = 1024


def setup_inputs(seed: int = 0) -> dict:
    key = jax.random.key(seed)
    k1, k2, k3, k4, k5, k6 = jax.random.split(key, 6)
    inputs = jax.random.randint(k1, (BATCH,), 0, N_TOKENS, dtype=jnp.int64 if jax.config.jax_enable_x64 else jnp.int32).astype(jnp.int32)
    # embedding table (padding row zeroed, like nn.Embedding(padding_idx=pad_id))
    emb = jax.random.normal(k2, (N_TOKENS, EMB), dtype=jnp.float32)
    emb = emb.at[PAD_ID].set(0.0)
    # xavier_normal_ init for linear weights (stored as [in, out] for jax matmul)
    std1 = float(np.sqrt(2.0 / (EMB + HID)))
    W1 = jax.random.normal(k3, (EMB, HID), dtype=jnp.float32) * std1
    b1 = jnp.zeros((HID,), dtype=jnp.float32)
    std2 = float(np.sqrt(2.0 / (HID + N_TOKENS)))
    W2 = jax.random.normal(k4, (HID, N_TOKENS), dtype=jnp.float32) * std2
    b2 = jnp.zeros((N_TOKENS,), dtype=jnp.float32)
    return {"inputs": inputs, "emb": emb, "W1": W1, "b1": b1, "W2": W2, "b2": b2}


def reference(inputs, emb, W1, b1, W2, b2):
    # nn.Embedding -> gather
    x = jnp.take(emb, inputs, axis=0)              # [B, EMB]
    # Linear(emb_size, hidden_size) + ReLU
    h = jnp.maximum(x @ W1 + b1, 0.0)              # [B, HID]
    # Linear(hidden_size, n_tokens)
    logits = h @ W2 + b2                           # [B, N_TOKENS]
    # LogSoftmax(dim=1)
    return jax.nn.log_softmax(logits, axis=1)

if __name__ == "__main__":
    import jax
    _d = setup_inputs()
    print(jax.jit(kernel)(*tuple(_d.values())))

</pallas_src>

<mosaic_0001>
#map = affine_map<(d0, d1) -> (0)>
#map1 = affine_map<(d0, d1) -> (0, 0)>
module attributes {stable_mosaic.version = 14 : i64} {
  func.func @gather_kernel(%arg0: i32, %arg1: i32, %arg2: memref<1024xi32, #tpu.memory_space<hbm>>, %arg3: memref<12500x128xf32, #tpu.memory_space<hbm>>, %arg4: memref<1024x16xf32, #tpu.memory_space<hbm>>, %arg5: memref<32xi32, #tpu.memory_space<vmem>>, %arg6: memref<32xi32, #tpu.memory_space<vmem>>, %arg7: memref<32x128xf32, #tpu.memory_space<vmem>>, %arg8: memref<32x16xf32, #tpu.memory_space<vmem>>, %arg9: memref<!tpu.dma_semaphore, #tpu.memory_space<semaphore_mem>>) attributes {dimension_semantics = [#tpu.dimension_semantics<core_parallel>, #tpu.dimension_semantics<subcore_parallel>], iteration_bounds = array<i64: 2, 16>, scalar_prefetch = 0 : i64, scratch_operands = 5 : i64, tpu.core_type = #tpu.core_type<sc_vector_subcore>, window_params = [{transform_indices = #map}, {transform_indices = #map1}, {transform_indices = #map1}]} {
    %mul3A = arith.constant 2 : i32
    %mul3A_0 = arith.muli %arg1, %mul3A : i32
    %add3A = arith.addi %mul3A_0, %arg0 : i32
    %mul3A_1 = arith.constant 32 : i32
    %mul3A_2 = arith.muli %add3A, %mul3A_1 : i32
    "tpu.region"() ({
      %run_scoped3A = tpu.sem_alloc : memref<!tpu.dma_semaphore, #tpu.memory_space<semaphore_mem>>
      %dma_start3A_230 = tpu.memref_slice %arg2[%mul3A_2] : memref<1024xi32, #tpu.memory_space<hbm>> -> memref<32xi32, #tpu.memory_space<hbm>>
      %dma_start3A_231 = tpu.memref_slice %arg2[%mul3A_2] : memref<1024xi32, #tpu.memory_space<hbm>> -> memref<32xi32, #tpu.memory_space<hbm>>
      tpu.enqueue_dma source(%dma_start3A_231 : memref<32xi32, #tpu.memory_space<hbm>>) target(%arg5 : memref<32xi32, #tpu.memory_space<vmem>>) target_semaphore(%run_scoped3A : memref<!tpu.dma_semaphore, #tpu.memory_space<semaphore_mem>>)
      %dma_wait3A_232 = tpu.memref_slice %arg2[%mul3A_2] : memref<1024xi32, #tpu.memory_space<hbm>> -> memref<32xi32, #tpu.memory_space<hbm>>
      %dma_wait3A_233 = tpu.memref_slice %arg2[%mul3A_2] : memref<1024xi32, #tpu.memory_space<hbm>> -> memref<32xi32, #tpu.memory_space<hbm>>
      tpu.wait_dma2 semaphore(%run_scoped3A : memref<!tpu.dma_semaphore, #tpu.memory_space<semaphore_mem>>) src(%dma_wait3A_233 : memref<32xi32, #tpu.memory_space<hbm>>) dst(%arg5 : memref<32xi32, #tpu.memory_space<vmem>>)
      tpu.yield
    }) : () -> ()
    %get3A = arith.constant 0 : index
    %get3A_3 = tpu.vector_load %arg5[%get3A] {strides = array<i32>} : memref<32xi32, #tpu.memory_space<vmem>>, vector<16xi32>,
    %div3A = arith.constant 8 : i32
    %div3A_4 = vector.broadcast %div3A : i32 to vector<16xi32>
    %div3A_5 = arith.divsi %get3A_3, %div3A_4 : vector<16xi32>
    %swap3A = arith.constant 0 : index
    %swap3A_6 = tpu.vector_load %arg6[%swap3A] {strides = array<i32>} : memref<32xi32, #tpu.memory_space<vmem>>, vector<16xi32>,
    tpu.vector_store %arg6[%swap3A], %div3A_5 {strides = array<i32>} : memref<32xi32, #tpu.memory_space<vmem>>, vector<16xi32>,
    %get3A_7 = arith.constant 16 : index
    %get3A_8 = tpu.vector_load %arg5[%get3A_7] {strides = array<i32>} : memref<32xi32, #tpu.memory_space<vmem>>, vector<16xi32>,
    %div3A_9 = arith.constant 8 : i32
    %div3A_10 = vector.broadcast %div3A_9 : i32 to vector<16xi32>
    %div3A_11 = arith.divsi %get3A_8, %div3A_10 : vector<16xi32>
    %swap3A_12 = arith.constant 16 : index
    %swap3A_13 = tpu.vector_load %arg6[%swap3A_12] {strides = array<i32>} : memref<32xi32, #tpu.memory_space<vmem>>, vector<16xi32>,
    tpu.vector_store %arg6[%swap3A_12], %div3A_11 {strides = array<i32>} : memref<32xi32, #tpu.memory_space<vmem>>, vector<16xi32>,
    %dma_start3A = arith.constant 0 : i32
    %dma_start3A_14 = arith.constant 0 : i32
    %dma_start3A_15 = tpu.memref_slice %arg3[%dma_start3A, %dma_start3A_14] : memref<12500x128xf32, #tpu.memory_space<hbm>> -> memref<12500x128xf32, #tpu.memory_space<hbm>>
    tpu.enqueue_indirect_dma source(%dma_start3A_15 : memref<12500x128xf32, #tpu.memory_space<hbm>>) target(%arg7 : memref<32x128xf32, #tpu.memory_space<vmem>>) offsets(%arg6 : memref<32xi32, #tpu.memory_space<vmem>>) semaphore(%arg9 : memref<!tpu.dma_semaphore, #tpu.memory_space<semaphore_mem>>)
    %dma_wait3A = arith.constant 0 : i32
    %dma_wait3A_16 = arith.constant 0 : i32
    %dma_wait3A_17 = tpu.memref_slice %arg3[%dma_wait3A, %dma_wait3A_16] : memref<12500x128xf32, #tpu.memory_space<hbm>> -> memref<12500x128xf32, #tpu.memory_space<hbm>>
    tpu.wait_indirect_dma semaphore(%arg9 : memref<!tpu.dma_semaphore, #tpu.memory_space<semaphore_mem>>) src(%dma_wait3A_17 : memref<12500x128xf32, #tpu.memory_space<hbm>>) dst(%arg7 : memref<32x128xf32, #tpu.memory_space<vmem>>)
    %get3A_18 = arith.constant 0 : index
    %get3A_19 = tpu.vector_load %arg5[%get3A_18] {strides = array<i32>} : memref<32xi32, #tpu.memory_space<vmem>>, vector<16xi32>,
    %rem3A = arith.constant 8 : i32
    %rem3A_20 = vector.broadcast %rem3A : i32 to vector<16xi32>
    %rem3A_21 = arith.remsi %get3A_19, %rem3A_20 : vector<16xi32>
    %mul3A_22 = arith.constant 16 : i32
    %mul3A_23 = vector.broadcast %mul3A_22 : i32 to vector<16xi32>
    %mul3A_24 = arith.muli %rem3A_21, %mul3A_23 : vector<16xi32>
    %iota3A = tpu.iota {dimensions = array<i32: 0>} : vector<16xi32>
    %add3A_25 = arith.constant 0 : i32
    %add3A_26 = vector.broadcast %add3A_25 : i32 to vector<16xi32>
    %add3A_27 = arith.addi %iota3A, %add3A_26 : vector<16xi32>
    %add3A_28 = arith.constant 0 : i32
    %add3A_29 = vector.broadcast %add3A_28 : i32 to vector<16xi32>
    %add3A_30 = arith.addi %mul3A_24, %add3A_29 : vector<16xi32>
    %gather3A = tpu.vector_load_idx %arg7[%add3A_27, %add3A_30] : memref<32x128xf32, #tpu.memory_space<vmem>>[vector<16xi32>, vector<16xi32>], vector<16xf32>,
    %broadcast_in_dim3A = arith.constant 0 : i32
    %broadcast_in_dim3A_31 = vector.broadcast %broadcast_in_dim3A : i32 to vector<16xi32>
    tpu.vector_store_idx %arg8[%add3A_27, %broadcast_in_dim3A_31], %gather3A : memref<32x16xf32, #tpu.memory_space<vmem>>[vector<16xi32>, vector<16xi32>], vector<16xf32>,
    %add3A_32 = arith.constant 1 : i32
    %add3A_33 = vector.broadcast %add3A_32 : i32 to vector<16xi32>
    %add3A_34 = arith.addi %mul3A_24, %add3A_33 : vector<16xi32>
    %gather3A_35 = tpu.vector_load_idx %arg7[%add3A_27, %add3A_34] : memref<32x128xf32, #tpu.memory_space<vmem>>[vector<16xi32>, vector<16xi32>], vector<16xf32>,
    %broadcast_in_dim3A_36 = arith.constant 1 : i32
    %broadcast_in_dim3A_37 = vector.broadcast %broadcast_in_dim3A_36 : i32 to vector<16xi32>
    tpu.vector_store_idx %arg8[%add3A_27, %broadcast_in_dim3A_37], %gather3A_35 : memref<32x16xf32, #tpu.memory_space<vmem>>[vector<16xi32>, vector<16xi32>], vector<16xf32>,
    %add3A_38 = arith.constant 2 : i32
    %add3A_39 = vector.broadcast %add3A_38 : i32 to vector<16xi32>
    %add3A_40 = arith.addi %mul3A_24, %add3A_39 : vector<16xi32>
    %gather3A_41 = tpu.vector_load_idx %arg7[%add3A_27, %add3A_40] : memref<32x128xf32, #tpu.memory_space<vmem>>[vector<16xi32>, vector<16xi32>], vector<16xf32>,
    %broadcast_in_dim3A_42 = arith.constant 2 : i32
    %broadcast_in_dim3A_43 = vector.broadcast %broadcast_in_dim3A_42 : i32 to vector<16xi32>
    tpu.vector_store_idx %arg8[%add3A_27, %broadcast_in_dim3A_43], %gather3A_41 : memref<32x16xf32, #tpu.memory_space<vmem>>[vector<16xi32>, vector<16xi32>], vector<16xf32>,
    %add3A_44 = arith.constant 3 : i32
    %add3A_45 = vector.broadcast %add3A_44 : i32 to vector<16xi32>
    %add3A_46 = arith.addi %mul3A_24, %add3A_45 : vector<16xi32>
    %gather3A_47 = tpu.vector_load_idx %arg7[%add3A_27, %add3A_46] : memref<32x128xf32, #tpu.memory_space<vmem>>[vector<16xi32>, vector<16xi32>], vector<16xf32>,
    %broadcast_in_dim3A_48 = arith.constant 3 : i32
    %broadcast_in_dim3A_49 = vector.broadcast %broadcast_in_dim3A_48 : i32 to vector<16xi32>
    tpu.vector_store_idx %arg8[%add3A_27, %broadcast_in_dim3A_49], %gather3A_47 : memref<32x16xf32, #tpu.memory_space<vmem>>[vector<16xi32>, vector<16xi32>], vector<16xf32>,
    %add3A_50 = arith.constant 4 : i32
    %add3A_51 = vector.broadcast %add3A_50 : i32 to vector<16xi32>
    %add3A_52 = arith.addi %mul3A_24, %add3A_51 : vector<16xi32>
    %gather3A_53 = tpu.vector_load_idx %arg7[%add3A_27, %add3A_52] : memref<32x128xf32, #tpu.memory_space<vmem>>[vector<16xi32>, vector<16xi32>], vector<16xf32>,
    %broadcast_in_dim3A_54 = arith.constant 4 : i32
    %broadcast_in_dim3A_55 = vector.broadcast %broadcast_in_dim3A_54 : i32 to vector<16xi32>
    tpu.vector_store_idx %arg8[%add3A_27, %broadcast_in_dim3A_55], %gather3A_53 : memref<32x16xf32, #tpu.memory_space<vmem>>[vector<16xi32>, vector<16xi32>], vector<16xf32>,
    %add3A_56 = arith.constant 5 : i32
    %add3A_57 = vector.broadcast %add3A_56 : i32 to vector<16xi32>
    %add3A_58 = arith.addi %mul3A_24, %add3A_57 : vector<16xi32>
    %gather3A_59 = tpu.vector_load_idx %arg7[%add3A_27, %add3A_58] : memref<32x128xf32, #tpu.memory_space<vmem>>[vector<16xi32>, vector<16xi32>], vector<16xf32>,
    %broadcast_in_dim3A_60 = arith.constant 5 : i32
    %broadcast_in_dim3A_61 = vector.broadcast %broadcast_in_dim3A_60 : i32 to vector<16xi32>
    tpu.vector_store_idx %arg8[%add3A_27, %broadcast_in_dim3A_61], %gather3A_59 : memref<32x16xf32, #tpu.memory_space<vmem>>[vector<16xi32>, vector<16xi32>], vector<16xf32>,
    %add3A_62 = arith.constant 6 : i32
    %add3A_63 = vector.broadcast %add3A_62 : i32 to vector<16xi32>
    %add3A_64 = arith.addi %mul3A_24, %add3A_63 : vector<16xi32>
    %gather3A_65 = tpu.vector_load_idx %arg7[%add3A_27, %add3A_64] : memref<32x128xf32, #tpu.memory_space<vmem>>[vector<16xi32>, vector<16xi32>], vector<16xf32>,
    %broadcast_in_dim3A_66 = arith.constant 6 : i32
    %broadcast_in_dim3A_67 = vector.broadcast %broadcast_in_dim3A_66 : i32 to vector<16xi32>
    tpu.vector_store_idx %arg8[%add3A_27, %broadcast_in_dim3A_67], %gather3A_65 : memref<32x16xf32, #tpu.memory_space<vmem>>[vector<16xi32>, vector<16xi32>], vector<16xf32>,
    %add3A_68 = arith.constant 7 : i32
    %add3A_69 = vector.broadcast %add3A_68 : i32 to vector<16xi32>
    %add3A_70 = arith.addi %mul3A_24, %add3A_69 : vector<16xi32>
    %gather3A_71 = tpu.vector_load_idx %arg7[%add3A_27, %add3A_70] : memref<32x128xf32, #tpu.memory_space<vmem>>[vector<16xi32>, vector<16xi32>], vector<16xf32>,
    %broadcast_in_dim3A_72 = arith.constant 7 : i32
    %broadcast_in_dim3A_73 = vector.broadcast %broadcast_in_dim3A_72 : i32 to vector<16xi32>
    tpu.vector_store_idx %arg8[%add3A_27, %broadcast_in_dim3A_73], %gather3A_71 : memref<32x16xf32, #tpu.memory_space<vmem>>[vector<16xi32>, vector<16xi32>], vector<16xf32>,
    %add3A_74 = arith.constant 8 : i32
    %add3A_75 = vector.broadcast %add3A_74 : i32 to vector<16xi32>
    %add3A_76 = arith.addi %mul3A_24, %add3A_75 : vector<16xi32>
    %gather3A_77 = tpu.vector_load_idx %arg7[%add3A_27, %add3A_76] : memref<32x128xf32, #tpu.memory_space<vmem>>[vector<16xi32>, vector<16xi32>], vector<16xf32>,
    %broadcast_in_dim3A_78 = arith.constant 8 : i32
    %broadcast_in_dim3A_79 = vector.broadcast %broadcast_in_dim3A_78 : i32 to vector<16xi32>
    tpu.vector_store_idx %arg8[%add3A_27, %broadcast_in_dim3A_79], %gather3A_77 : memref<32x16xf32, #tpu.memory_space<vmem>>[vector<16xi32>, vector<16xi32>], vector<16xf32>,
    %add3A_80 = arith.constant 9 : i32
    %add3A_81 = vector.broadcast %add3A_80 : i32 to vector<16xi32>
    %add3A_82 = arith.addi %mul3A_24, %add3A_81 : vector<16xi32>
    %gather3A_83 = tpu.vector_load_idx %arg7[%add3A_27, %add3A_82] : memref<32x128xf32, #tpu.memory_space<vmem>>[vector<16xi32>, vector<16xi32>], vector<16xf32>,
    %broadcast_in_dim3A_84 = arith.constant 9 : i32
    %broadcast_in_dim3A_85 = vector.broadcast %broadcast_in_dim3A_84 : i32 to vector<16xi32>
    tpu.vector_store_idx %arg8[%add3A_27, %broadcast_in_dim3A_85], %gather3A_83 : memref<32x16xf32, #tpu.memory_space<vmem>>[vector<16xi32>, vector<16xi32>], vector<16xf32>,
    %add3A_86 = arith.constant 10 : i32
    %add3A_87 = vector.broadcast %add3A_86 : i32 to vector<16xi32>
    %add3A_88 = arith.addi %mul3A_24, %add3A_87 : vector<16xi32>
    %gather3A_89 = tpu.vector_load_idx %arg7[%add3A_27, %add3A_88] : memref<32x128xf32, #tpu.memory_space<vmem>>[vector<16xi32>, vector<16xi32>], vector<16xf32>,
    %broadcast_in_dim3A_90 = arith.constant 10 : i32
    %broadcast_in_dim3A_91 = vector.broadcast %broadcast_in_dim3A_90 : i32 to vector<16xi32>
    tpu.vector_store_idx %arg8[%add3A_27, %broadcast_in_dim3A_91], %gather3A_89 : memref<32x16xf32, #tpu.memory_space<vmem>>[vector<16xi32>, vector<16xi32>], vector<16xf32>,
    %add3A_92 = arith.constant 11 : i32
    %add3A_93 = vector.broadcast %add3A_92 : i32 to vector<16xi32>
    %add3A_94 = arith.addi %mul3A_24, %add3A_93 : vector<16xi32>
    %gather3A_95 = tpu.vector_load_idx %arg7[%add3A_27, %add3A_94] : memref<32x128xf32, #tpu.memory_space<vmem>>[vector<16xi32>, vector<16xi32>], vector<16xf32>,
    %broadcast_in_dim3A_96 = arith.constant 11 : i32
    %broadcast_in_dim3A_97 = vector.broadcast %broadcast_in_dim3A_96 : i32 to vector<16xi32>
    tpu.vector_store_idx %arg8[%add3A_27, %broadcast_in_dim3A_97], %gather3A_95 : memref<32x16xf32, #tpu.memory_space<vmem>>[vector<16xi32>, vector<16xi32>], vector<16xf32>,
    %add3A_98 = arith.constant 12 : i32
    %add3A_99 = vector.broadcast %add3A_98 : i32 to vector<16xi32>
    %add3A_100 = arith.addi %mul3A_24, %add3A_99 : vector<16xi32>
    %gather3A_101 = tpu.vector_load_idx %arg7[%add3A_27, %add3A_100] : memref<32x128xf32, #tpu.memory_space<vmem>>[vector<16xi32>, vector<16xi32>], vector<16xf32>,
    %broadcast_in_dim3A_102 = arith.constant 12 : i32
    %broadcast_in_dim3A_103 = vector.broadcast %broadcast_in_dim3A_102 : i32 to vector<16xi32>
    tpu.vector_store_idx %arg8[%add3A_27, %broadcast_in_dim3A_103], %gather3A_101 : memref<32x16xf32, #tpu.memory_space<vmem>>[vector<16xi32>, vector<16xi32>], vector<16xf32>,
    %add3A_104 = arith.constant 13 : i32
    %add3A_105 = vector.broadcast %add3A_104 : i32 to vector<16xi32>
    %add3A_106 = arith.addi %mul3A_24, %add3A_105 : vector<16xi32>
    %gather3A_107 = tpu.vector_load_idx %arg7[%add3A_27, %add3A_106] : memref<32x128xf32, #tpu.memory_space<vmem>>[vector<16xi32>, vector<16xi32>], vector<16xf32>,
    %broadcast_in_dim3A_108 = arith.constant 13 : i32
    %broadcast_in_dim3A_109 = vector.broadcast %broadcast_in_dim3A_108 : i32 to vector<16xi32>
    tpu.vector_store_idx %arg8[%add3A_27, %broadcast_in_dim3A_109], %gather3A_107 : memref<32x16xf32, #tpu.memory_space<vmem>>[vector<16xi32>, vector<16xi32>], vector<16xf32>,
    %add3A_110 = arith.constant 14 : i32
    %add3A_111 = vector.broadcast %add3A_110 : i32 to vector<16xi32>
    %add3A_112 = arith.addi %mul3A_24, %add3A_111 : vector<16xi32>
    %gather3A_113 = tpu.vector_load_idx %arg7[%add3A_27, %add3A_112] : memref<32x128xf32, #tpu.memory_space<vmem>>[vector<16xi32>, vector<16xi32>], vector<16xf32>,
    %broadcast_in_dim3A_114 = arith.constant 14 : i32
    %broadcast_in_dim3A_115 = vector.broadcast %broadcast_in_dim3A_114 : i32 to vector<16xi32>
    tpu.vector_store_idx %arg8[%add3A_27, %broadcast_in_dim3A_115], %gather3A_113 : memref<32x16xf32, #tpu.memory_space<vmem>>[vector<16xi32>, vector<16xi32>], vector<16xf32>,
    %add3A_116 = arith.constant 15 : i32
    %add3A_117 = vector.broadcast %add3A_116 : i32 to vector<16xi32>
    %add3A_118 = arith.addi %mul3A_24, %add3A_117 : vector<16xi32>
    %gather3A_119 = tpu.vector_load_idx %arg7[%add3A_27, %add3A_118] : memref<32x128xf32, #tpu.memory_space<vmem>>[vector<16xi32>, vector<16xi32>], vector<16xf32>,
    %broadcast_in_dim3A_120 = arith.constant 15 : i32
    %broadcast_in_dim3A_121 = vector.broadcast %broadcast_in_dim3A_120 : i32 to vector<16xi32>
    tpu.vector_store_idx %arg8[%add3A_27, %broadcast_in_dim3A_121], %gather3A_119 : memref<32x16xf32, #tpu.memory_space<vmem>>[vector<16xi32>, vector<16xi32>], vector<16xf32>,
    %get3A_122 = arith.constant 16 : index
    %get3A_123 = tpu.vector_load %arg5[%get3A_122] {strides = array<i32>} : memref<32xi32, #tpu.memory_space<vmem>>, vector<16xi32>,
    %rem3A_124 = arith.constant 8 : i32
    %rem3A_125 = vector.broadcast %rem3A_124 : i32 to vector<16xi32>
    %rem3A_126 = arith.remsi %get3A_123, %rem3A_125 : vector<16xi32>
    %mul3A_127 = arith.constant 16 : i32
    %mul3A_128 = vector.broadcast %mul3A_127 : i32 to vector<16xi32>
    %mul3A_129 = arith.muli %rem3A_126, %mul3A_128 : vector<16xi32>
    %iota3A_130 = tpu.iota {dimensions = array<i32: 0>} : vector<16xi32>
    %add3A_131 = arith.constant 16 : i32
    %add3A_132 = vector.broadcast %add3A_131 : i32 to vector<16xi32>
    %add3A_133 = arith.addi %iota3A_130, %add3A_132 : vector<16xi32>
    %add3A_134 = arith.constant 0 : i32
    %add3A_135 = vector.broadcast %add3A_134 : i32 to vector<16xi32>
    %add3A_136 = arith.addi %mul3A_129, %add3A_135 : vector<16xi32>
    %gather3A_137 = tpu.vector_load_idx %arg7[%add3A_133, %add3A_136] : memref<32x128xf32, #tpu.memory_space<vmem>>[vector<16xi32>, vector<16xi32>], vector<16xf32>,
    %broadcast_in_dim3A_138 = arith.constant 0 : i32
    %broadcast_in_dim3A_139 = vector.broadcast %broadcast_in_dim3A_138 : i32 to vector<16xi32>
    tpu.vector_store_idx %arg8[%add3A_133, %broadcast_in_dim3A_139], %gather3A_137 : memref<32x16xf32, #tpu.memory_space<vmem>>[vector<16xi32>, vector<16xi32>], vector<16xf32>,
    %add3A_140 = arith.constant 1 : i32
    %add3A_141 = vector.broadcast %add3A_140 : i32 to vector<16xi32>
    %add3A_142 = arith.addi %mul3A_129, %add3A_141 : vector<16xi32>
    %gather3A_143 = tpu.vector_load_idx %arg7[%add3A_133, %add3A_142] : memref<32x128xf32, #tpu.memory_space<vmem>>[vector<16xi32>, vector<16xi32>], vector<16xf32>,
    %broadcast_in_dim3A_144 = arith.constant 1 : i32
    %broadcast_in_dim3A_145 = vector.broadcast %broadcast_in_dim3A_144 : i32 to vector<16xi32>
    tpu.vector_store_idx %arg8[%add3A_133, %broadcast_in_dim3A_145], %gather3A_143 : memref<32x16xf32, #tpu.memory_space<vmem>>[vector<16xi32>, vector<16xi32>], vector<16xf32>,
    %add3A_146 = arith.constant 2 : i32
    %add3A_147 = vector.broadcast %add3A_146 : i32 to vector<16xi32>
    %add3A_148 = arith.addi %mul3A_129, %add3A_147 : vector<16xi32>
    %gather3A_149 = tpu.vector_load_idx %arg7[%add3A_133, %add3A_148] : memref<32x128xf32, #tpu.memory_space<vmem>>[vector<16xi32>, vector<16xi32>], vector<16xf32>,
    %broadcast_in_dim3A_150 = arith.constant 2 : i32
    %broadcast_in_dim3A_151 = vector.broadcast %broadcast_in_dim3A_150 : i32 to vector<16xi32>
    tpu.vector_store_idx %arg8[%add3A_133, %broadcast_in_dim3A_151], %gather3A_149 : memref<32x16xf32, #tpu.memory_space<vmem>>[vector<16xi32>, vector<16xi32>], vector<16xf32>,
    %add3A_152 = arith.constant 3 : i32
    %add3A_153 = vector.broadcast %add3A_152 : i32 to vector<16xi32>
    %add3A_154 = arith.addi %mul3A_129, %add3A_153 : vector<16xi32>
    %gather3A_155 = tpu.vector_load_idx %arg7[%add3A_133, %add3A_154] : memref<32x128xf32, #tpu.memory_space<vmem>>[vector<16xi32>, vector<16xi32>], vector<16xf32>,
    %broadcast_in_dim3A_156 = arith.constant 3 : i32
    %broadcast_in_dim3A_157 = vector.broadcast %broadcast_in_dim3A_156 : i32 to vector<16xi32>
    tpu.vector_store_idx %arg8[%add3A_133, %broadcast_in_dim3A_157], %gather3A_155 : memref<32x16xf32, #tpu.memory_space<vmem>>[vector<16xi32>, vector<16xi32>], vector<16xf32>,
    %add3A_158 = arith.constant 4 : i32
    %add3A_159 = vector.broadcast %add3A_158 : i32 to vector<16xi32>
    %add3A_160 = arith.addi %mul3A_129, %add3A_159 : vector<16xi32>
    %gather3A_161 = tpu.vector_load_idx %arg7[%add3A_133, %add3A_160] : memref<32x128xf32, #tpu.memory_space<vmem>>[vector<16xi32>, vector<16xi32>], vector<16xf32>,
    %broadcast_in_dim3A_162 = arith.constant 4 : i32
    %broadcast_in_dim3A_163 = vector.broadcast %broadcast_in_dim3A_162 : i32 to vector<16xi32>
    tpu.vector_store_idx %arg8[%add3A_133, %broadcast_in_dim3A_163], %gather3A_161 : memref<32x16xf32, #tpu.memory_space<vmem>>[vector<16xi32>, vector<16xi32>], vector<16xf32>,
    %add3A_164 = arith.constant 5 : i32
    %add3A_165 = vector.broadcast %add3A_164 : i32 to vector<16xi32>
    %add3A_166 = arith.addi %mul3A_129, %add3A_165 : vector<16xi32>
    %gather3A_167 = tpu.vector_load_idx %arg7[%add3A_133, %add3A_166] : memref<32x128xf32, #tpu.memory_space<vmem>>[vector<16xi32>, vector<16xi32>], vector<16xf32>,
    %broadcast_in_dim3A_168 = arith.constant 5 : i32
    %broadcast_in_dim3A_169 = vector.broadcast %broadcast_in_dim3A_168 : i32 to vector<16xi32>
    tpu.vector_store_idx %arg8[%add3A_133, %broadcast_in_dim3A_169], %gather3A_167 : memref<32x16xf32, #tpu.memory_space<vmem>>[vector<16xi32>, vector<16xi32>], vector<16xf32>,
    %add3A_170 = arith.constant 6 : i32
    %add3A_171 = vector.broadcast %add3A_170 : i32 to vector<16xi32>
    %add3A_172 = arith.addi %mul3A_129, %add3A_171 : vector<16xi32>
    %gather3A_173 = tpu.vector_load_idx %arg7[%add3A_133, %add3A_172] : memref<32x128xf32, #tpu.memory_space<vmem>>[vector<16xi32>, vector<16xi32>], vector<16xf32>,
    %broadcast_in_dim3A_174 = arith.constant 6 : i32
    %broadcast_in_dim3A_175 = vector.broadcast %broadcast_in_dim3A_174 : i32 to vector<16xi32>
    tpu.vector_store_idx %arg8[%add3A_133, %broadcast_in_dim3A_175], %gather3A_173 : memref<32x16xf32, #tpu.memory_space<vmem>>[vector<16xi32>, vector<16xi32>], vector<16xf32>,
    %add3A_176 = arith.constant 7 : i32
    %add3A_177 = vector.broadcast %add3A_176 : i32 to vector<16xi32>
    %add3A_178 = arith.addi %mul3A_129, %add3A_177 : vector<16xi32>
    %gather3A_179 = tpu.vector_load_idx %arg7[%add3A_133, %add3A_178] : memref<32x128xf32, #tpu.memory_space<vmem>>[vector<16xi32>, vector<16xi32>], vector<16xf32>,
    %broadcast_in_dim3A_180 = arith.constant 7 : i32
    %broadcast_in_dim3A_181 = vector.broadcast %broadcast_in_dim3A_180 : i32 to vector<16xi32>
    tpu.vector_store_idx %arg8[%add3A_133, %broadcast_in_dim3A_181], %gather3A_179 : memref<32x16xf32, #tpu.memory_space<vmem>>[vector<16xi32>, vector<16xi32>], vector<16xf32>,
    %add3A_182 = arith.constant 8 : i32
    %add3A_183 = vector.broadcast %add3A_182 : i32 to vector<16xi32>
    %add3A_184 = arith.addi %mul3A_129, %add3A_183 : vector<16xi32>
    %gather3A_185 = tpu.vector_load_idx %arg7[%add3A_133, %add3A_184] : memref<32x128xf32, #tpu.memory_space<vmem>>[vector<16xi32>, vector<16xi32>], vector<16xf32>,
    %broadcast_in_dim3A_186 = arith.constant 8 : i32
    %broadcast_in_dim3A_187 = vector.broadcast %broadcast_in_dim3A_186 : i32 to vector<16xi32>
    tpu.vector_store_idx %arg8[%add3A_133, %broadcast_in_dim3A_187], %gather3A_185 : memref<32x16xf32, #tpu.memory_space<vmem>>[vector<16xi32>, vector<16xi32>], vector<16xf32>,
    %add3A_188 = arith.constant 9 : i32
    %add3A_189 = vector.broadcast %add3A_188 : i32 to vector<16xi32>
    %add3A_190 = arith.addi %mul3A_129, %add3A_189 : vector<16xi32>
    %gather3A_191 = tpu.vector_load_idx %arg7[%add3A_133, %add3A_190] : memref<32x128xf32, #tpu.memory_space<vmem>>[vector<16xi32>, vector<16xi32>], vector<16xf32>,
    %broadcast_in_dim3A_192 = arith.constant 9 : i32
    %broadcast_in_dim3A_193 = vector.broadcast %broadcast_in_dim3A_192 : i32 to vector<16xi32>
    tpu.vector_store_idx %arg8[%add3A_133, %broadcast_in_dim3A_193], %gather3A_191 : memref<32x16xf32, #tpu.memory_space<vmem>>[vector<16xi32>, vector<16xi32>], vector<16xf32>,
    %add3A_194 = arith.constant 10 : i32
    %add3A_195 = vector.broadcast %add3A_194 : i32 to vector<16xi32>
    %add3A_196 = arith.addi %mul3A_129, %add3A_195 : vector<16xi32>
    %gather3A_197 = tpu.vector_load_idx %arg7[%add3A_133, %add3A_196] : memref<32x128xf32, #tpu.memory_space<vmem>>[vector<16xi32>, vector<16xi32>], vector<16xf32>,
    %broadcast_in_dim3A_198 = arith.constant 10 : i32
    %broadcast_in_dim3A_199 = vector.broadcast %broadcast_in_dim3A_198 : i32 to vector<16xi32>
    tpu.vector_store_idx %arg8[%add3A_133, %broadcast_in_dim3A_199], %gather3A_197 : memref<32x16xf32, #tpu.memory_space<vmem>>[vector<16xi32>, vector<16xi32>], vector<16xf32>,
    %add3A_200 = arith.constant 11 : i32
    %add3A_201 = vector.broadcast %add3A_200 : i32 to vector<16xi32>
    %add3A_202 = arith.addi %mul3A_129, %add3A_201 : vector<16xi32>
    %gather3A_203 = tpu.vector_load_idx %arg7[%add3A_133, %add3A_202] : memref<32x128xf32, #tpu.memory_space<vmem>>[vector<16xi32>, vector<16xi32>], vector<16xf32>,
    %broadcast_in_dim3A_204 = arith.constant 11 : i32
    %broadcast_in_dim3A_205 = vector.broadcast %broadcast_in_dim3A_204 : i32 to vector<16xi32>
    tpu.vector_store_idx %arg8[%add3A_133, %broadcast_in_dim3A_205], %gather3A_203 : memref<32x16xf32, #tpu.memory_space<vmem>>[vector<16xi32>, vector<16xi32>], vector<16xf32>,
    %add3A_206 = arith.constant 12 : i32
    %add3A_207 = vector.broadcast %add3A_206 : i32 to vector<16xi32>
    %add3A_208 = arith.addi %mul3A_129, %add3A_207 : vector<16xi32>
    %gather3A_209 = tpu.vector_load_idx %arg7[%add3A_133, %add3A_208] : memref<32x128xf32, #tpu.memory_space<vmem>>[vector<16xi32>, vector<16xi32>], vector<16xf32>,
    %broadcast_in_dim3A_210 = arith.constant 12 : i32
    %broadcast_in_dim3A_211 = vector.broadcast %broadcast_in_dim3A_210 : i32 to vector<16xi32>
    tpu.vector_store_idx %arg8[%add3A_133, %broadcast_in_dim3A_211], %gather3A_209 : memref<32x16xf32, #tpu.memory_space<vmem>>[vector<16xi32>, vector<16xi32>], vector<16xf32>,
    %add3A_212 = arith.constant 13 : i32
    %add3A_213 = vector.broadcast %add3A_212 : i32 to vector<16xi32>
    %add3A_214 = arith.addi %mul3A_129, %add3A_213 : vector<16xi32>
    %gather3A_215 = tpu.vector_load_idx %arg7[%add3A_133, %add3A_214] : memref<32x128xf32, #tpu.memory_space<vmem>>[vector<16xi32>, vector<16xi32>], vector<16xf32>,
    %broadcast_in_dim3A_216 = arith.constant 13 : i32
    %broadcast_in_dim3A_217 = vector.broadcast %broadcast_in_dim3A_216 : i32 to vector<16xi32>
    tpu.vector_store_idx %arg8[%add3A_133, %broadcast_in_dim3A_217], %gather3A_215 : memref<32x16xf32, #tpu.memory_space<vmem>>[vector<16xi32>, vector<16xi32>], vector<16xf32>,
    %add3A_218 = arith.constant 14 : i32
    %add3A_219 = vector.broadcast %add3A_218 : i32 to vector<16xi32>
    %add3A_220 = arith.addi %mul3A_129, %add3A_219 : vector<16xi32>
    %gather3A_221 = tpu.vector_load_idx %arg7[%add3A_133, %add3A_220] : memref<32x128xf32, #tpu.memory_space<vmem>>[vector<16xi32>, vector<16xi32>], vector<16xf32>,
    %broadcast_in_dim3A_222 = arith.constant 14 : i32
    %broadcast_in_dim3A_223 = vector.broadcast %broadcast_in_dim3A_222 : i32 to vector<16xi32>
    tpu.vector_store_idx %arg8[%add3A_133, %broadcast_in_dim3A_223], %gather3A_221 : memref<32x16xf32, #tpu.memory_space<vmem>>[vector<16xi32>, vector<16xi32>], vector<16xf32>,
    %add3A_224 = arith.constant 15 : i32
    %add3A_225 = vector.broadcast %add3A_224 : i32 to vector<16xi32>
    %add3A_226 = arith.addi %mul3A_129, %add3A_225 : vector<16xi32>
    %gather3A_227 = tpu.vector_load_idx %arg7[%add3A_133, %add3A_226] : memref<32x128xf32, #tpu.memory_space<vmem>>[vector<16xi32>, vector<16xi32>], vector<16xf32>,
    %broadcast_in_dim3A_228 = arith.constant 15 : i32
    %broadcast_in_dim3A_229 = vector.broadcast %broadcast_in_dim3A_228 : i32 to vector<16xi32>
    tpu.vector_store_idx %arg8[%add3A_133, %broadcast_in_dim3A_229], %gather3A_227 : memref<32x16xf32, #tpu.memory_space<vmem>>[vector<16xi32>, vector<16xi32>], vector<16xf32>,
    "tpu.region"() ({
      %run_scoped3A = tpu.sem_alloc : memref<!tpu.dma_semaphore, #tpu.memory_space<semaphore_mem>>
      %dma_start3A_230 = arith.constant 0 : i32
      %dma_start3A_231 = tpu.memref_slice %arg4[%mul3A_2, %dma_start3A_230] : memref<1024x16xf32, #tpu.memory_space<hbm>> -> memref<32x16xf32, #tpu.memory_space<hbm>>
      %dma_start3A_232 = arith.constant 0 : i32
      %dma_start3A_233 = tpu.memref_slice %arg4[%mul3A_2, %dma_start3A_232] : memref<1024x16xf32, #tpu.memory_space<hbm>> -> memref<32x16xf32, #tpu.memory_space<hbm>>
      tpu.enqueue_dma source(%arg8 : memref<32x16xf32, #tpu.memory_space<vmem>>) target(%dma_start3A_233 : memref<32x16xf32, #tpu.memory_space<hbm>>) target_semaphore(%run_scoped3A : memref<!tpu.dma_semaphore, #tpu.memory_space<semaphore_mem>>)
      %dma_wait3A_234 = arith.constant 0 : i32
      %dma_wait3A_235 = tpu.memref_slice %arg4[%mul3A_2, %dma_wait3A_234] : memref<1024x16xf32, #tpu.memory_space<hbm>> -> memref<32x16xf32, #tpu.memory_space<hbm>>
      %dma_wait3A_236 = arith.constant 0 : i32
      %dma_wait3A_237 = tpu.memref_slice %arg4[%mul3A_2, %dma_wait3A_236] : memref<1024x16xf32, #tpu.memory_space<hbm>> -> memref<32x16xf32, #tpu.memory_space<hbm>>
      tpu.wait_dma2 semaphore(%run_scoped3A : memref<!tpu.dma_semaphore, #tpu.memory_space<semaphore_mem>>) src(%arg8 : memref<32x16xf32, #tpu.memory_space<vmem>>) dst(%dma_wait3A_237 : memref<32x16xf32, #tpu.memory_space<hbm>>)
      tpu.yield
    }) : () -> ()
    return
  }
}

module attributes {stable_mosaic.version = 14 : i64} {
  func.func @_fused_body(%arg0: i32, %arg1: i32, %arg2: memref<16x1024xf32, #tpu.memory_space<vmem>>, %arg3: memref<17x32xf32, #tpu.memory_space<vmem>>, %arg4: memref<32x4096xf32, #tpu.memory_space<vmem>>, %arg5: memref<1x4096xf32, #tpu.memory_space<vmem>>, %arg6: memref<4096x512xf32, #tpu.memory_space<vmem>>, %arg7: memref<8x1024xf32, #tpu.memory_space<vmem>>, %arg8: memref<8x1024xf32, #tpu.memory_space<vmem>>, %arg9: memref<8x1024xf32, #tpu.memory_space<vmem>>) attributes {dimension_semantics = [#tpu.dimension_semantics<arbitrary>, #tpu.dimension_semantics<arbitrary>], iteration_bounds = array<i64: 3, 25>, scalar_prefetch = 0 : i64, scratch_operands = 3 : i64, tpu.core_type = #tpu.core_type<tc>, window_params = [{pipeline_mode = #tpu.pipeline_mode<synchronous>, transform_indices = @transform_0, window_bounds = array<i64: 16, 1024>}, {pipeline_mode = #tpu.pipeline_mode<synchronous>, transform_indices = @transform_1, window_bounds = array<i64: 17, 32>}, {transform_indices = @transform_2, window_bounds = array<i64: 32, 4096>}, {transform_indices = @transform_3, window_bounds = array<i64: 1, 4096>}, {transform_indices = @transform_4, window_bounds = array<i64: 4096, 512>}]} {
    %broadcast_in_dim3A = arith.constant 1.000000e+00 : f32
    %broadcast_in_dim3A_0 = vector.broadcast %broadcast_in_dim3A : f32 to vector<1x512xf32>
    %broadcast_in_dim3A_1 = arith.constant 1.000000e+00 : f32
    %broadcast_in_dim3A_2 = vector.broadcast %broadcast_in_dim3A_1 : f32 to vector<1x4096xf32>
    %eq3A = arith.constant 0 : i32
    %eq3A_3 = arith.cmpi eq, %arg0, %eq3A : i32
    %eq3A_4 = arith.constant 0 : i32
    %eq3A_5 = arith.cmpi eq, %arg1, %eq3A_4 : i32
    %and3A = arith.andi %eq3A_3, %eq3A_5 : i1
    %convert_element_type3A = arith.extui %and3A : i1 to i32
    %cond3A = arith.constant 0 : i32
    %cond3A_6 = arith.cmpi ne, %convert_element_type3A, %cond3A : i32
    scf.if %cond3A_6 {
      %broadcast_in_dim3A_15 = arith.constant 0.000000e+00 : f32
      %broadcast_in_dim3A_16 = vector.broadcast %broadcast_in_dim3A_15 : f32 to vector<8x1024xf32>
      %swap3A = arith.constant 0 : index
      %swap3A_17 = arith.constant 0 : index
      %swap3A_18 = vector.load %arg7[%swap3A, %swap3A_17] : memref<8x1024xf32, #tpu.memory_space<vmem>>, vector<8x1024xf32>
      tpu.vector_store %arg7[%swap3A, %swap3A_17], %broadcast_in_dim3A_16 {strides = array<i32>} : memref<8x1024xf32, #tpu.memory_space<vmem>>, vector<8x1024xf32>,
      %broadcast_in_dim3A_19 = arith.constant 0.000000e+00 : f32
      %broadcast_in_dim3A_20 = vector.broadcast %broadcast_in_dim3A_19 : f32 to vector<8x1024xf32>
      %swap3A_21 = arith.constant 0 : index
      %swap3A_22 = arith.constant 0 : index
      %swap3A_23 = vector.load %arg8[%swap3A_21, %swap3A_22] : memref<8x1024xf32, #tpu.memory_space<vmem>>, vector<8x1024xf32>
      tpu.vector_store %arg8[%swap3A_21, %swap3A_22], %broadcast_in_dim3A_20 {strides = array<i32>} : memref<8x1024xf32, #tpu.memory_space<vmem>>, vector<8x1024xf32>,
    } else {
    }
    %lt3A = arith.constant 2 : i32
    %lt3A_7 = arith.cmpi slt, %arg0, %lt3A : i32
    %convert_element_type3A_8 = arith.extui %lt3A_7 : i1 to i32
    %cond3A_9 = arith.constant 0 : i32
    %cond3A_10 = arith.cmpi ne, %convert_element_type3A_8, %cond3A_9 : i32
    scf.if %cond3A_10 {
      %mul3A = arith.constant 512 : i32
      %mul3A_15 = arith.muli %arg0, %mul3A : i32
      %get3A = arith.constant 0 : index
      %get3A_16 = arith.index_cast %mul3A_15 : i32 to index
      %get3A_17 = vector.load %arg2[%get3A, %get3A_16] : memref<16x1024xf32, #tpu.memory_space<vmem>>, vector<16x512xf32>
      %concatenate3A = tpu.concatenate %get3A_17, %broadcast_in_dim3A_0 in 0 : vector<16x512xf32>, vector<1x512xf32> -> vector<17x512xf32>
      %get3A_18 = arith.constant 0 : index
      %get3A_19 = arith.constant 0 : index
      %get3A_20 = vector.load %arg3[%get3A_18, %get3A_19] : memref<17x32xf32, #tpu.memory_space<vmem>>, vector<17x32xf32>
      %dot_general3A = arith.constant dense<0.000000e+00> : vector<32x512xf32>
      %dot_general3A_21 = tpu.matmul %get3A_20, %concatenate3A, %dot_general3A {dimension_numbers = #tpu.dot_dimension_numbers<[0], [0], [1], [1], [0, 1, 1, 1], [], []>, transpose_lhs_hint = false} : vector<17x32xf32>, vector<17x512xf32>, vector<32x512xf32> -> vector<32x512xf32>
      %max3A = arith.constant 0.000000e+00 : f32
      %max3A_22 = vector.broadcast %max3A : f32 to vector<32x512xf32>
      %max3A_23 = arith.maximumf %dot_general3A_21, %max3A_22 : vector<32x512xf32>
      %concatenate3A_24 = tpu.concatenate %max3A_23, %broadcast_in_dim3A_0 in 0 : vector<32x512xf32>, vector<1x512xf32> -> vector<33x512xf32>
      %mul3A_25 = arith.constant 1.44269502 : f32
      %mul3A_26 = vector.broadcast %mul3A_25 : f32 to vector<33x512xf32>
      %mul3A_27 = arith.mulf %concatenate3A_24, %mul3A_26 : vector<33x512xf32>
      %get3A_28 = arith.constant 0 : index
      %get3A_29 = arith.index_cast %mul3A_15 : i32 to index
      %get3A_30 = vector.load %arg7[%get3A_28, %get3A_29] : memref<8x1024xf32, #tpu.memory_space<vmem>>, vector<1x512xf32>
      %neg3A = arith.constant 0.000000e+00 : f32
      %neg3A_31 = vector.broadcast %neg3A : f32 to vector<1x512xf32>
      %neg3A_32 = arith.subf %neg3A_31, %get3A_30 : vector<1x512xf32>
      %concatenate3A_33 = tpu.concatenate %mul3A_27, %neg3A_32 in 0 : vector<33x512xf32>, vector<1x512xf32> -> vector<34x512xf32>
      %mul3A_34 = arith.constant 4096 : i32
      %mul3A_35 = arith.muli %arg1, %mul3A_34 : i32
      %iota3A = tpu.iota {dimensions = array<i32: 1>} : vector<1x4096xi32>
      %add3A = vector.broadcast %mul3A_35 : i32 to vector<1x4096xi32>
      %add3A_36 = arith.addi %add3A, %iota3A : vector<1x4096xi32>
      %lt3A_37 = arith.constant 100000 : i32
      %lt3A_38 = vector.broadcast %lt3A_37 : i32 to vector<1x4096xi32>
      %lt3A_39 = arith.cmpi slt, %add3A_36, %lt3A_38 : vector<1x4096xi32>
      %get3A_40 = arith.constant 0 : index
      %get3A_41 = arith.constant 0 : index
      %get3A_42 = vector.load %arg4[%get3A_40, %get3A_41] : memref<32x4096xf32, #tpu.memory_space<vmem>>, vector<32x4096xf32>
      %jit3A = arith.constant 0.000000e+00 : f32
      %broadcast_in_dim3A_43 = vector.shape_cast %lt3A_39 : vector<1x4096xi1> to vector<1x4096xi1>
      %broadcast_in_dim3A_44 = vector.broadcast %broadcast_in_dim3A_43 : vector<1x4096xi1> to vector<32x4096xi1>
      %broadcast_in_dim3A_45 = vector.broadcast %jit3A : f32 to vector<32x4096xf32>
      %select_n3A = arith.select %broadcast_in_dim3A_44, %get3A_42, %broadcast_in_dim3A_45 : vector<32x4096xi1>, vector<32x4096xf32>
      %get3A_46 = arith.constant 0 : index
      %get3A_47 = arith.constant 0 : index
      %get3A_48 = vector.load %arg5[%get3A_46, %get3A_47] : memref<1x4096xf32, #tpu.memory_space<vmem>>, vector<1x4096xf32>
      %jit3A_49 = arith.constant 0xFF800000 : f32
      %broadcast_in_dim3A_50 = vector.broadcast %jit3A_49 : f32 to vector<1x4096xf32>
      %select_n3A_51 = arith.select %lt3A_39, %get3A_48, %broadcast_in_dim3A_50 : vector<1x4096xi1>, vector<1x4096xf32>
      %concatenate3A_52 = tpu.concatenate %select_n3A, %select_n3A_51, %broadcast_in_dim3A_2 in 0 : vector<32x4096xf32>, vector<1x4096xf32>, vector<1x4096xf32> -> vector<34x4096xf32>
      %dot_general3A_53 = arith.constant dense<0.000000e+00> : vector<4096x512xf32>
      %dot_general3A_54 = tpu.matmul %concatenate3A_52, %concatenate3A_33, %dot_general3A_53 {dimension_numbers = #tpu.dot_dimension_numbers<[0], [0], [1], [1], [0, 1, 1, 1], [], []>, transpose_lhs_hint = false} : vector<34x4096xf32>, vector<34x512xf32>, vector<4096x512xf32> -> vector<4096x512xf32>
      %reduce_max3A = arith.constant dense<0xFF800000> : vector<512xf32>
      %reduce_max3A_55 = vector.multi_reduction <maximumf>, %dot_general3A_54, %reduce_max3A [0] : vector<4096x512xf32> to vector<512xf32>
      %broadcast_in_dim3A_56 = vector.shape_cast %reduce_max3A_55 : vector<512xf32> to vector<1x512xf32>
      %eq3A_57 = arith.constant 0 : i32
      %eq3A_58 = arith.cmpi eq, %arg1, %eq3A_57 : i32
      %reduce_max3A_59 = vector.shape_cast %broadcast_in_dim3A_56 : vector<1x512xf32> to vector<1x1x512xf32>
      %reduce_max3A_60 = arith.constant dense<0xFF800000> : vector<1xf32>
      %reduce_max3A_61 = vector.multi_reduction <maximumf>, %reduce_max3A_59, %reduce_max3A_60 [1, 2] : vector<1x1x512xf32> to vector<1xf32>
      %reduce_max3A_62 = vector.shape_cast %reduce_max3A_61 : vector<1xf32> to vector<1x1x1xf32>
      %reduce_max3A_63 = vector.extract %reduce_max3A_62[0, 0, 0] : f32 from vector<1x1x1xf32>
      %gt3A_64 = arith.constant 6.000000e+01 : f32
      %gt3A_65 = arith.cmpf ogt, %reduce_max3A_63, %gt3A_64 : f32
      %or3A = arith.ori %eq3A_58, %gt3A_65 : i1
      %not3A = arith.constant true
      %not3A_66 = arith.xori %or3A, %not3A : i1
      %convert_element_type3A_67 = arith.extui %not3A_66 : i1 to i32
      %cond3A_68 = arith.constant 0 : i32
      %cond3A_69 = arith.cmpi ne, %convert_element_type3A_67, %cond3A_68 : i32
      scf.if %cond3A_69 {
        %get3A_78 = arith.constant 0 : index
        %get3A_79 = arith.index_cast %mul3A_15 : i32 to index
        %get3A_80 = vector.load %arg8[%get3A_78, %get3A_79] : memref<8x1024xf32, #tpu.memory_space<vmem>>, vector<1x512xf32>
        %exp23A = math.exp2 %dot_general3A_54 : vector<4096x512xf32>
        %reduce_sum3A = arith.constant dense<0.000000e+00> : vector<512xf32>
        %reduce_sum3A_81 = vector.multi_reduction <add>, %exp23A, %reduce_sum3A [0] : vector<4096x512xf32> to vector<512xf32>
        %broadcast_in_dim3A_82 = vector.shape_cast %reduce_sum3A_81 : vector<512xf32> to vector<1x512xf32>
        %add3A_83 = arith.addf %get3A_80, %broadcast_in_dim3A_82 : vector<1x512xf32>
        %swap3A = arith.constant 0 : index
        %swap3A_84 = arith.index_cast %mul3A_15 : i32 to index
        %swap3A_85 = vector.load %arg8[%swap3A, %swap3A_84] : memref<8x1024xf32, #tpu.memory_space<vmem>>, vector<1x512xf32>
        tpu.vector_store %arg8[%swap3A, %swap3A_84], %add3A_83 {strides = array<i32>} : memref<8x1024xf32, #tpu.memory_space<vmem>>, vector<1x512xf32>,
      } else {
      }
      %convert_element_type3A_70 = arith.extui %or3A : i1 to i32
      %cond3A_71 = arith.constant 0 : i32
      %cond3A_72 = arith.cmpi ne, %convert_element_type3A_70, %cond3A_71 : i32
      scf.if %cond3A_72 {
        %eq3A_78 = arith.constant 0 : i32
        %eq3A_79 = arith.cmpi eq, %arg1, %eq3A_78 : i32
        %max3A_80 = arith.constant 0.000000e+00 : f32
        %max3A_81 = vector.broadcast %max3A_80 : f32 to vector<1x512xf32>
        %max3A_82 = arith.maximumf %broadcast_in_dim3A_56, %max3A_81 : vector<1x512xf32>
        %select_n3A_83 = arith.select %eq3A_79, %broadcast_in_dim3A_56, %max3A_82 : vector<1x512xf32>
        %eq3A_84 = arith.constant 0 : i32
        %eq3A_85 = arith.cmpi eq, %arg1, %eq3A_84 : i32
        %get3A_86 = arith.constant 0 : index
        %get3A_87 = arith.index_cast %mul3A_15 : i32 to index
        %get3A_88 = vector.load %arg8[%get3A_86, %get3A_87] : memref<8x1024xf32, #tpu.memory_space<vmem>>, vector<1x512xf32>
        %neg3A_89 = arith.constant 0.000000e+00 : f32
        %neg3A_90 = vector.broadcast %neg3A_89 : f32 to vector<1x512xf32>
        %neg3A_91 = arith.subf %neg3A_90, %select_n3A_83 : vector<1x512xf32>
        %exp23A = math.exp2 %neg3A_91 : vector<1x512xf32>
        %mul3A_92 = arith.mulf %get3A_88, %exp23A : vector<1x512xf32>
        %jit3A_93 = arith.constant 0.000000e+00 : f32
        %broadcast_in_dim3A_94 = vector.broadcast %jit3A_93 : f32 to vector<1x512xf32>
        %select_n3A_95 = arith.select %eq3A_85, %broadcast_in_dim3A_94, %mul3A_92 : vector<1x512xf32>
        %sub3A = vector.broadcast %select_n3A_83 : vector<1x512xf32> to vector<4096x512xf32>
        %sub3A_96 = arith.subf %dot_general3A_54, %sub3A : vector<4096x512xf32>
        %exp23A_97 = math.exp2 %sub3A_96 : vector<4096x512xf32>
        %reduce_sum3A = arith.constant dense<0.000000e+00> : vector<512xf32>
        %reduce_sum3A_98 = vector.multi_reduction <add>, %exp23A_97, %reduce_sum3A [0] : vector<4096x512xf32> to vector<512xf32>
        %broadcast_in_dim3A_99 = vector.shape_cast %reduce_sum3A_98 : vector<512xf32> to vector<1x512xf32>
        %add3A_100 = arith.addf %select_n3A_95, %broadcast_in_dim3A_99 : vector<1x512xf32>
        %swap3A = arith.constant 0 : index
        %swap3A_101 = arith.index_cast %mul3A_15 : i32 to index
        %swap3A_102 = vector.load %arg8[%swap3A, %swap3A_101] : memref<8x1024xf32, #tpu.memory_space<vmem>>, vector<1x512xf32>
        tpu.vector_store %arg8[%swap3A, %swap3A_101], %add3A_100 {strides = array<i32>} : memref<8x1024xf32, #tpu.memory_space<vmem>>, vector<1x512xf32>,
        %get3A_103 = arith.constant 0 : index
        %get3A_104 = arith.index_cast %mul3A_15 : i32 to index
        %get3A_105 = vector.load %arg7[%get3A_103, %get3A_104] : memref<8x1024xf32, #tpu.memory_space<vmem>>, vector<1x512xf32>
        %add3A_106 = arith.addf %get3A_105, %select_n3A_83 : vector<1x512xf32>
        %swap3A_107 = arith.constant 0 : index
        %swap3A_108 = arith.index_cast %mul3A_15 : i32 to index
        %swap3A_109 = vector.load %arg7[%swap3A_107, %swap3A_108] : memref<8x1024xf32, #tpu.memory_space<vmem>>, vector<1x512xf32>
        tpu.vector_store %arg7[%swap3A_107, %swap3A_108], %add3A_106 {strides = array<i32>} : memref<8x1024xf32, #tpu.memory_space<vmem>>, vector<1x512xf32>,
      } else {
      }
      %eq3A_73 = arith.constant 24 : i32
      %eq3A_74 = arith.cmpi eq, %arg1, %eq3A_73 : i32
      %convert_element_type3A_75 = arith.extui %eq3A_74 : i1 to i32
      %cond3A_76 = arith.constant 0 : i32
      %cond3A_77 = arith.cmpi ne, %convert_element_type3A_75, %cond3A_76 : i32
      scf.if %cond3A_77 {
        %get3A_78 = arith.constant 0 : index
        %get3A_79 = arith.index_cast %mul3A_15 : i32 to index
        %get3A_80 = vector.load %arg7[%get3A_78, %get3A_79] : memref<8x1024xf32, #tpu.memory_space<vmem>>, vector<1x512xf32>
        %get3A_81 = arith.constant 0 : index
        %get3A_82 = arith.index_cast %mul3A_15 : i32 to index
        %get3A_83 = vector.load %arg8[%get3A_81, %get3A_82] : memref<8x1024xf32, #tpu.memory_space<vmem>>, vector<1x512xf32>
        %log3A = math.log %get3A_83 : vector<1x512xf32>
        %log3A_84 = arith.constant 2.000000e+00 : f32
        %log3A_85 = math.log %log3A_84 : f32
        %div3A = vector.broadcast %log3A_85 : f32 to vector<1x512xf32>
        %div3A_86 = arith.divf %log3A, %div3A : vector<1x512xf32>
        %add3A_87 = arith.addf %get3A_80, %div3A_86 : vector<1x512xf32>
        %mul3A_88 = arith.constant 0.693147182 : f32
        %mul3A_89 = vector.broadcast %mul3A_88 : f32 to vector<1x512xf32>
        %mul3A_90 = arith.mulf %add3A_87, %mul3A_89 : vector<1x512xf32>
        %swap3A = arith.constant 0 : index
        %swap3A_91 = arith.index_cast %mul3A_15 : i32 to index
        %swap3A_92 = vector.load %arg9[%swap3A, %swap3A_91] : memref<8x1024xf32, #tpu.memory_space<vmem>>, vector<1x512xf32>
        tpu.vector_store %arg9[%swap3A, %swap3A_91], %mul3A_90 {strides = array<i32>} : memref<8x1024xf32, #tpu.memory_space<vmem>>, vector<1x512xf32>,
      } else {
      }
    } else {
    }
    %gt3A = arith.constant 0 : i32
    %gt3A_11 = arith.cmpi sgt, %arg0, %gt3A : i32
    %convert_element_type3A_12 = arith.extui %gt3A_11 : i1 to i32
    %cond3A_13 = arith.constant 0 : i32
    %cond3A_14 = arith.cmpi ne, %convert_element_type3A_12, %cond3A_13 : i32
    scf.if %cond3A_14 {
      %sub3A = arith.constant 1 : i32
      %sub3A_15 = arith.subi %arg0, %sub3A : i32
      %mul3A = arith.constant 512 : i32
      %mul3A_16 = arith.muli %sub3A_15, %mul3A : i32
      %get3A = arith.constant 0 : index
      %get3A_17 = arith.index_cast %mul3A_16 : i32 to index
      %get3A_18 = vector.load %arg2[%get3A, %get3A_17] : memref<16x1024xf32, #tpu.memory_space<vmem>>, vector<16x512xf32>
      %concatenate3A = tpu.concatenate %get3A_18, %broadcast_in_dim3A_0 in 0 : vector<16x512xf32>, vector<1x512xf32> -> vector<17x512xf32>
      %get3A_19 = arith.constant 0 : index
      %get3A_20 = arith.constant 0 : index
      %get3A_21 = vector.load %arg3[%get3A_19, %get3A_20] : memref<17x32xf32, #tpu.memory_space<vmem>>, vector<17x32xf32>
      %dot_general3A = arith.constant dense<0.000000e+00> : vector<32x512xf32>
      %dot_general3A_22 = tpu.matmul %get3A_21, %concatenate3A, %dot_general3A {dimension_numbers = #tpu.dot_dimension_numbers<[0], [0], [1], [1], [0, 1, 1, 1], [], []>, transpose_lhs_hint = false} : vector<17x32xf32>, vector<17x512xf32>, vector<32x512xf32> -> vector<32x512xf32>
      %max3A = arith.constant 0.000000e+00 : f32
      %max3A_23 = vector.broadcast %max3A : f32 to vector<32x512xf32>
      %max3A_24 = arith.maximumf %dot_general3A_22, %max3A_23 : vector<32x512xf32>
      %concatenate3A_25 = tpu.concatenate %max3A_24, %broadcast_in_dim3A_0 in 0 : vector<32x512xf32>, vector<1x512xf32> -> vector<33x512xf32>
      %get3A_26 = arith.constant 0 : index
      %get3A_27 = arith.index_cast %mul3A_16 : i32 to index
      %get3A_28 = vector.load %arg9[%get3A_26, %get3A_27] : memref<8x1024xf32, #tpu.memory_space<vmem>>, vector<1x512xf32>
      %neg3A = arith.constant 0.000000e+00 : f32
      %neg3A_29 = vector.broadcast %neg3A : f32 to vector<1x512xf32>
      %neg3A_30 = arith.subf %neg3A_29, %get3A_28 : vector<1x512xf32>
      %concatenate3A_31 = tpu.concatenate %concatenate3A_25, %neg3A_30 in 0 : vector<33x512xf32>, vector<1x512xf32> -> vector<34x512xf32>
      %get3A_32 = arith.constant 0 : index
      %get3A_33 = arith.constant 0 : index
      %get3A_34 = vector.load %arg4[%get3A_32, %get3A_33] : memref<32x4096xf32, #tpu.memory_space<vmem>>, vector<32x4096xf32>
      %get3A_35 = arith.constant 0 : index
      %get3A_36 = arith.constant 0 : index
      %get3A_37 = vector.load %arg5[%get3A_35, %get3A_36] : memref<1x4096xf32, #tpu.memory_space<vmem>>, vector<1x4096xf32>
      %concatenate3A_38 = tpu.concatenate %get3A_34, %get3A_37, %broadcast_in_dim3A_2 in 0 : vector<32x4096xf32>, vector<1x4096xf32>, vector<1x4096xf32> -> vector<34x4096xf32>
      %dot_general3A_39 = arith.constant dense<0.000000e+00> : vector<4096x512xf32>
      %dot_general3A_40 = tpu.matmul %concatenate3A_38, %concatenate3A_31, %dot_general3A_39 {dimension_numbers = #tpu.dot_dimension_numbers<[0], [0], [1], [1], [0, 1, 1, 1], [], []>, transpose_lhs_hint = false} : vector<34x4096xf32>, vector<34x512xf32>, vector<4096x512xf32> -> vector<4096x512xf32>
      %swap3A = arith.constant 0 : index
      %swap3A_41 = arith.constant 0 : index
      %swap3A_42 = vector.load %arg6[%swap3A, %swap3A_41] : memref<4096x512xf32, #tpu.memory_space<vmem>>, vector<4096x512xf32>
      tpu.vector_store %arg6[%swap3A, %swap3A_41], %dot_general3A_40 {strides = array<i32>} : memref<4096x512xf32, #tpu.memory_space<vmem>>, vector<4096x512xf32>,
    } else {
    }
    return
  }
  func.func @transform_0(%arg0: i32, %arg1: i32) -> (i32, i32) {
    %c0_i32 = arith.constant 0 : i32
    %c0_i32_0 = arith.constant 0 : i32
    %c0_i32_1 = arith.constant 0 : i32
    return %c0_i32, %c0_i32_0 : i32, i32
  }
  func.func @transform_1(%arg0: i32, %arg1: i32) -> (i32, i32) {
    %c0_i32 = arith.constant 0 : i32
    %c0_i32_0 = arith.constant 0 : i32
    %c0_i32_1 = arith.constant 0 : i32
    return %c0_i32, %c0_i32_0 : i32, i32
  }
  func.func @transform_2(%arg0: i32, %arg1: i32) -> (i32, i32) {
    %c0_i32 = arith.constant 0 : i32
    %c0_i32_0 = arith.constant 0 : i32
    return %c0_i32, %arg1 : i32, i32
  }
  func.func @transform_3(%arg0: i32, %arg1: i32) -> (i32, i32) {
    %c0_i32 = arith.constant 0 : i32
    %c0_i32_0 = arith.constant 0 : i32
    return %c0_i32, %arg1 : i32, i32
  }
  func.func @transform_4(%arg0: i32, %arg1: i32) -> (i32, i32) {
    %eq3A = arith.constant 0 : i32
    %eq3A_0 = arith.cmpi eq, %arg0, %eq3A : i32
    %jit3A = arith.constant 0 : i32
    %select_n3A = arith.select %eq3A_0, %jit3A, %arg1 : i32
    %sub3A = arith.constant 1 : i32
    %sub3A_1 = arith.subi %arg0, %sub3A : i32
    %max3A = arith.constant 0 : i32
    %max3A_2 = arith.maxsi %sub3A_1, %max3A : i32
    %c0_i32 = arith.constant 0 : i32
    return %select_n3A, %max3A_2 : i32, i32
  }
}

</mosaic_0001>

<sc_bundles>
// kernel: kernel.4.cloned.1.call-start
scs
__scs_entry_jumppad:
0x0: {  	(pc) =	sbr.rel $0x88, $3  }
0x1: {  	(tag) =	ssettag $0x0;
	lr =	simm.s32 $0x1  }
0x2: {  	[smem:$0x3F9B] =	sst lr;
	_ =	strace $0xD0000000  }
0x3: {  	_ = 	snop  }
0x4: {  	_ = 	snop  }
0x5: {  	_ = 	snop  }
0x6: {  	_ = 	snop  }
0x7: {  	_ = 	snop  }
__scs_overlays_trampoline_lowered:
0x8: {  	[smem:$0x3FAA] =	sst s0  }
0x9: {  	[smem:$0x3FAB] =	sst s1  }
0xa: {  	[smem:$0x3FAC] =	sst s2  }
0xb: {  	[smem:$0x3FAD] =	sst s3  }
0xc: {  	[smem:$0x3FAE] =	sst s4  }
0xd: {  	[smem:$0x3FAF] =	sst s5  }
0xe: {  	[smem:$0x3FB0] =	sst s6  }
0xf: {  	[smem:$0x3FB1] =	sst s7  }
0x10: {  	[smem:$0x3FB2] =	sst s8  }
0x11: {  	[smem:$0x3FB3] =	sst s9;
	s0 =	simm.s32 @!p0 $0x0  }
0x12: {  	s1 =	sld [smem:$0x3F99];
	s0 =	simm.s32 @p0 $0x1  }
0x13: {  	[smem:$0x3FB4] =	sst s0;
	s0 =	simm.s32 @!p1 $0x0  }
0x14: {  	s2 =	sld [smem:$0x3F98];
	s0 =	simm.s32 @p1 $0x1  }
0x15: {  	[smem:$0x3FB5] =	sst s0;
	s0 =	simm.s32 @!p2 $0x0  }
0x16: {  	s3 =	sld [smem:$0x3FDB];
	s0 =	simm.s32 @p2 $0x1  }
0x17: {  	s4 =	simm.s32 $0x1BF5;
	[smem:$0x3FB7] =	sst s0  }
0x18: {  	s0 =	sld [smem:$0x3F9A];
	_ =	swait.ge [sflag:s4], $0x0  }
0x19: {  	s7 =	sld [smem:$0x3F9B]  }
0x1a: {  	s8 =	sadd.s32 $0xFFFFE003, lr  }
0x1b: {  	s9 =	sadd.s32 $0xFFFFFEF7, lr;
	s5 =	simm.s32 $0xFFFFFFFF;
	p2 =	slt.u32 s8, $0xFFFFF086  }
0x1c: {  	p1 =	slt.u32 s9, $0xF7A;
	s5 =	simm.s32 @!p2 $0x0  }
0x1d: {  	s5 =	simm.s32 @p1 $0x1;
	p0 =	seq.s32 s7, s2  }
0x1e: {  	s7 =	smul.u32 @!p0 $0xF7A, s2;
	p2 =	seq.s32 @!p0 s5, $0x0  }
0x1f: {  	s9 =	smul.u32 $0xF7A, s1;
	s8 =	simm.s32 @!p0 $0x1BF5;
	p2 =	por !p2, p0  }
0x20: {  	[sflag:s8] =	ssyncset.s32 @!p0 $0xFFFFF086;
	s6 =	sadd.s32 @!p0 s3, s7;
	s7 =	simm.s32 @!p0 $0x108  }
0x21: {  	s3 =	sadd.s32 s3, s9;
	s6 =	sadd.s32 @!p0 $0x88, s6;
	s7 =	simm.s32 @p2 $0x1082  }
0x22: {  	[simem:s7], [sflag:s8] =	dma.local @!p0 [hbm:s6], $0xF7A  }
0x23: {  	s9 =	sor.u32 $0xD0000000, s2;
	s6 =	simm.s32 $0x108;
	_ =	swait.ge @!p0 [sflag:s8], $0x0  }
0x24: {  	s3 =	sadd.s32 $0x88, s3;
	s6 =	simm.s32 @!p1 $0x1082;
	[sflag:s4] =	ssyncset.s32 $0xFFFFF086  }
0x25: {  	[simem:s6], [sflag:s4] =	dma.local [hbm:s3], $0xF7A  }
0x26: {  	[smem:$0x3F9B] =	sst s1;
	(tag) =	ssettag s2;
	_ =	strace s9  }
0x27: {  	s1 =	sld [smem:$0x3FAB]  }
0x28: {  	s2 =	sld [smem:$0x3FAC]  }
0x29: {  	s4 =	sld [smem:$0x3FAE]  }
0x2a: {  	p0 =	seq.s32 s5, $0x0;
	s5 =	sld [smem:$0x3FAF]  }
0x2b: {  	s6 =	sld [smem:$0x3FB0]  }
0x2c: {  	s7 =	sld [smem:$0x3FB1]  }
0x2d: {  	s3 =	simm.s32 $0x108;
	s8 =	sld [smem:$0x3FB2]  }
0x2e: {  	s3 =	simm.s32 @!p0 $0x1082;
	s9 =	sld [smem:$0x3FB3]  }
0x2f: {  	lr =	sadd.s32 s0, s3;
	s0 =	sld [smem:$0x3FAA]  }
0x30: {  	s3 =	sld [smem:$0x3FAD]  }
0x31: {  	[smem:$0x3FB6] =	sst s10  }
0x32: {  	s10 =	sld [smem:$0x3FB4];
	_ =	sdelay $0x3  }
0x33: {  	p0 =	seq.s32 s10, $0x1;
	s10 =	sld [smem:$0x3FB6];
	_ =	sdelay $0x3  }
0x34: {  	[smem:$0x3FB6] =	sst s10  }
0x35: {  	s10 =	sld [smem:$0x3FB5];
	_ =	sdelay $0x3  }
0x36: {  	p1 =	seq.s32 s10, $0x1;
	s10 =	sld [smem:$0x3FB6];
	_ =	sdelay $0x3  }
0x37: {  	[smem:$0x3FB6] =	sst s10  }
0x38: {  	s10 =	sld [smem:$0x3FB7]  }
0x39: {  	_ = 	snop;
	(pc) =	sbr.ind lr, $3  }
0x3a: {  	_ = 	snop  }
0x3b: {  	_ = 	snop  }
0x3c: {  	p2 =	seq.s32 s10, $0x1;
	s10 =	sld [smem:$0x3FB6]  }
0x3d: {  	_ =	shalt  }
0x3e: {  	_ =	shalt  }
0x3f: {  	_ =	shalt  }
0x40: {  	_ =	shalt  }
0x41: {  	_ =	shalt  }
0x42: {  	_ =	shalt  }
0x43: {  	_ =	shalt  }
0x44: {  	_ =	shalt  }
0x45: {  	_ =	shalt  }
0x46: {  	_ =	shalt  }
0x47: {  	_ =	shalt  }
0x48: {  	_ =	shalt  }
0x49: {  	_ =	shalt  }
0x4a: {  	_ =	shalt  }
0x4b: {  	_ =	shalt  }
0x4c: {  	_ =	shalt  }
0x4d: {  	_ =	shalt  }
0x4e: {  	_ =	shalt  }
0x4f: {  	_ =	shalt  }
0x50: {  	_ =	shalt  }
0x51: {  	_ =	shalt  }
0x52: {  	_ =	shalt  }
0x53: {  	_ =	shalt  }
0x54: {  	_ =	shalt  }
0x55: {  	_ =	shalt  }
0x56: {  	_ =	shalt  }
0x57: {  	_ =	shalt  }
0x58: {  	_ =	shalt  }
0x59: {  	_ =	shalt  }
0x5a: {  	_ =	shalt  }
0x5b: {  	_ =	shalt  }
0x5c: {  	_ =	shalt  }
0x5d: {  	_ =	shalt  }
0x5e: {  	_ =	shalt  }
0x5f: {  	_ =	shalt  }
0x60: {  	_ =	shalt  }
0x61: {  	_ =	shalt  }
0x62: {  	_ =	shalt  }
0x63: {  	_ =	shalt  }
0x64: {  	_ =	shalt  }
0x65: {  	_ =	shalt  }
0x66: {  	_ =	shalt  }
0x67: {  	_ =	shalt  }
0x68: {  	_ =	shalt  }
0x69: {  	_ =	shalt  }
0x6a: {  	_ =	shalt  }
0x6b: {  	_ =	shalt  }
0x6c: {  	_ =	shalt  }
0x6d: {  	_ =	shalt  }
0x6e: {  	_ =	shalt  }
0x6f: {  	_ =	shalt  }
0x70: {  	_ =	shalt  }
0x71: {  	_ =	shalt  }
0x72: {  	_ =	shalt  }
0x73: {  	_ =	shalt  }
0x74: {  	_ =	shalt  }
0x75: {  	_ =	shalt  }
0x76: {  	_ =	shalt  }
0x77: {  	_ =	shalt  }
0x78: {  	_ =	shalt  }
0x79: {  	_ =	shalt  }
0x7a: {  	_ =	shalt  }
0x7b: {  	_ =	shalt  }
0x7c: {  	_ =	shalt  }
0x7d: {  	_ =	shalt  }
0x7e: {  	_ =	shalt  }
0x7f: {  	_ =	shalt  }
0x80: {  	_ =	shalt  }
0x81: {  	_ =	shalt  }
0x82: {  	_ =	shalt  }
0x83: {  	_ =	shalt  }
0x84: {  	_ =	shalt  }
0x85: {  	_ =	shalt  }
0x86: {  	_ =	shalt  }
0x87: {  	_ =	shalt  }
.Lfunc_end0:
.L_simem_size_0:
called_computation_lowered:
.L_overlay_start_0:
0x88: {  	s2 =	sld [smem:$0x3FD9]  }
0x89: {  	s3 =	sld [smem:$0x3FFE];
	_ =	sdelay $0x1  }
0x8a: {  	s1 =	srdreg.scid  }
0x8b: {  	s0 =	sand.u32 $0x1, s1  }
0x8c: {  	s17 =	sshll.u32 s0, $0xA;
	s2 =	sadd.s32 s3, s2  }
0x8d: {  	s2 =	sadd.s32 s2, s17  }
0x8e: {  	[smem:$0x3FC2] =	sst s2  }
0x8f: {  	_ = 	snop  }
0x90: {  	s2 =	sld [smem:$0x3FC9]  }
0x91: {  	s18 =	sld [smem:$0x3FD0];
	(tm) =	ssettm $0x1  }
0x92: {  	s4 =	sld [smem:$0x3FFB];
	_ =	sdelay $0x3  }
0x93: {  	_ =	strace s4  }
0x94: {  	s4 =	sld [smem:$0x3FFC];
	_ =	sdelay $0x3  }
0x95: {  	_ =	strace s4  }
0x96: {  	s4 =	sld [smem:$0x3FFD];
	_ =	sdelay $0x3  }
0x97: {  	_ =	strace s4  }
0x98: {  	_ =	strace $0x8FFFFFFF  }
0x99: {  	s19 =	sld [smem:$0x3FDB];
	_ =	sdelay $0x1  }
0x9a: {  	s5 =	simm.s32 $_scs_section_size  }
0x9b: {  	s6 =	simm.s32 $_size__tile_overlayer_lowered;
	s7 =	simm.s32 $_tile_overlayer_lowered  }
0x9c: {  	s22 =	simm.s32 $0x1BFF;
	s21 =	sshll.u32 s7, $0x1;
	s4 =	sadd.s32 s5, s19  }
0x9d: {  	s8 =	simm.s32 $0x0;
	s20 =	sshll.u32 s6, $0x1;
	s6 =	sadd.s32 s21, s4  }
0x9e: {  	[timem:s8], [sflag:s22] =	dma.local [hbm:s6], s20  }
0x9f: {  	_ =	swait.ge [sflag:s22], s20  }
0xa0: {  	s5 =	ssub.s32 $0x0, s20;
	[sflag:s22] =	ssyncset.done $0x0  }
0xa1: {  	[sflag:s22] =	ssyncadd.s32 s5;
	_ =	sdelay $0x1  }
0xa2: {  	s23 =	simm.s32 $0x1B8B  }
0xa3: {  	_ =	swait.ge [sflag:s23], $0x1  }
0xa4: {  	[sflag:s23] =	ssyncset.done $0x0  }
0xa5: {  	s25 =	simm.s32 $0x1B8E;
	s24 =	sld [smem:$0x3FFE];
	[sflag:s23] =	ssyncadd.s32 $0xFFFFFFFF  }
0xa6: {  	s26 =	simm.s32 $execute0_lowered;
	[smem:$0x3FD2] =	sst s25  }
0xa7: {  	s6 =	sshll.u32 s26, $0x1;
	_ =	strace $0x80000046;
	[dreg:$0x1] =	wrdreg $0xFFFFFFFF  }
0xa8: {  	s28 =	simm.s32 $_size_execute0_lowered;
	s4 =	sadd.s32 s4, s6;
	[dreg:$0x0] =	wrdreg $0x0  }
0xa9: {  	s6 =	sshll.u32 s28, $0x1;
	[dreg:$0x2] =	wrdreg s4  }
0xaa: {  	[dreg:$0x3] =	wrdreg s6  }
0xab: {  	[dreg:$0x4] =	wrdreg $0xC0  }
0xac: {  	_ =	task [dreg:s8], $0x5FFFF  }
0xad: {  	[dreg:$0x1] =	wrdreg $0xFFFFFFFF  }
0xae: {  	[dreg:$0x0] =	wrdreg $0x60  }
0xaf: {  	[dreg:$0x2] =	wrdreg s2  }
0xb0: {  	[dreg:$0x3] =	wrdreg s24  }
0xb1: {  	[dreg:$0x4] =	wrdreg s18  }
0xb2: {  	[dreg:$0x5] =	wrdreg $0x9  }
0xb3: {  	_ =	task.clear_ibuf [dreg:s8], $0x6FFFF;
	_ =	strace $0x90000046  }
0xb4: {  	s29 =	simm.s32 $0x9;
	_ =	strace $0x80000048  }
0xb5: {  	_ =	swait.ge [sflag:s29], $0x1  }
0xb6: {  	[sflag:s29] =	ssyncadd.s32 $0xFFFFFFFF  }
0xb7: {  	_ =	strace $0x90000048  }
0xb8: {  	_ =	sfence  }
0xb9: {  	s30 =	sld [smem:$0x0];
	_ =	sdelay $0x2  }
0xba: {  	s31 =	sshll.u32 s1, $0xD;
	s1 =	sshrl.u32 s1, $0x2  }
0xbb: {  	s3 =	sand.u32 $0x4000, s31;
	s1 =	sadd.s32 s1, s30  }
0xbc: {  	s0 =	sor.u32 s3, s0;
	s1 =	sshll.u32 s1, $0x11  }
0xbd: {  	s0 =	sor.u32 s1, s0  }
0xbe: {  	s0 =	sadd.s32 $0x8F2B, s0  }
0xbf: {  	[sflag:s0] =	ssyncadd.remote.s32 $0x1  }
0xc0: {  	_ =	sfence.sel $0xFFFF  }
0xc1: {  	[dreg:$0x0] =	wrdreg $0xFFFFFFFF;
	(pc) =	sbr.abs _section_cstart, $3  }
0xc2: {  	[dreg:$0x1] =	wrdreg $0xFFFFFFFF  }
0xc3: {  	_ =	task.clear_ibuf [dreg:s8], $0x2FFFF;
	_ =	strace $0x9FFFFFFF  }
0xc4: {  	(tm) =	ssettm $0x7FFFFFFF  }
0xc5: {  	_ =	shalt  }
tec
execute0_lowered:
.L_overlay_start_1:
0x0: {  	(tag) =	ssettag $0x1  }
0x1: {  	v0 =	vlaneseq.u32  }
0x2: {  	v0 =	vmul.u32 $0x80, v0  }
0x3: {  	s4 =	rddreg [dreg:$0x0]  }
0x4: {  	s3 =	rddreg [dreg:$0x1];
	v1 =	vor.u32 $0x1, v0  }
0x5: {  	s5 =	rddreg [dreg:$0x2];
	v2 =	vor.u32 $0x2, v0;
	v3 =	vor.u32 $0x3, v0;
	v4 =	vor.u32 $0x4, v0  }
0x6: {  	s0 =	rddreg [dreg:$0x3];
	v5 =	vor.u32 $0x5, v0;
	v6 =	vor.u32 $0x6, v0;
	v7 =	vor.u32 $0x7, v0  }
0x7: {  	s1 =	simm.s32 $0x0;
	s6 =	srdreg.scid;
	s2 =	stileid.u32;
	v8 =	vor.u32 $0x8, v0;
	v9 =	vor.u32 $0x9, v0;
	v10 =	vor.u32 $0xA, v0  }
0x8: {  	s10 =	simm.s32 $0x100;
	s11 =	simm.s32 $0x1;
	s12 =	simm.s32 $0x1100;
	v11 =	vor.u32 $0xB, v0;
	v12 =	vor.u32 $0xC, v0;
	v13 =	vor.u32 $0xD, v0  }
0x9: {  	[smem:$0x7FF] =	sst s1;
	s6 =	sand.u32 $0x1, s6;
	s8 =	sshll.u32 s2, $0x6;
	v14 =	vor.u32 $0xE, v0;
	v15 =	vor.u32 $0xF, v0;
	v16 =	vor.u32 $0x800, v0  }
0xa: {  	s3 =	sadd.s32 $0x1A00, s3;
	s7 =	ssub.s32 $0x2, s6;
	s6 =	sshll.u32 s6, $0x5;
	v17 =	vor.u32 $0x801, v0;
	v18 =	vor.u32 $0x802, v0;
	v19 =	vor.u32 $0x803, v0  }
0xb: {  	_ =	strace $0x80000047;
	s9 =	sshrl.u32 s7, $0x1;
	s6 =	sor.u32 s6, s8;
	v20 =	vor.u32 $0x804, v0;
	v21 =	vor.u32 $0x805, v0;
	v22 =	vor.u32 $0x806, v0  }
0xc: {  	v23 =	vor.u32 $0x807, v0;
	v24 =	vor.u32 $0x808, v0;
	v25 =	vor.u32 $0x809, v0;
	s7 =	ssub.s32 s7, s9;
	s8 =	sshrl.u32 s6, $0x3;
	s6 =	sshll.u32 s6, $0x4  }
0xd: {  	v26 =	vor.u32 $0x80A, v0;
	v27 =	vor.u32 $0x80B, v0;
	v28 =	vor.u32 $0x80C, v0;
	s9 =	simm.s32 $0x80;
	s4 =	sadd.s32 s4, s8;
	s5 =	sadd.s32 s5, s6  }
0xe: {  	v29 =	vor.u32 $0x80D, v0;
	v30 =	vor.u32 $0x80E, v0;
	v31 =	vor.u32 $0x80F, v0;
	s6 =	smax.u32 s7, $0x1;
	s7 =	simm.s32 $0x2;
	s8 =	simm.s32 $0x20  }
.LBB2_1:
0xf: {  	[tilespmem:s1], [sflag:$0x2] =	stream.linear.gather [hbm4b:s4+s1], $0x20, $0x38;
	[tilespmem:$0x2100] =	vst v63  }
0x10: {  	_ =	swait.ge [sflag:s7], $0x20  }
0x11: {  	[sflag:s7] =	ssyncset.done $0x0  }
0x12: {  	[sflag:s7] =	ssyncadd.s32 $0xFFFFFFE0  }
0x13: {  	v32 =	vld [tilespmem:$0x0]  }
0x14: {  	v33 =	vld [tilespmem:$0x10];
	_ =	sdelay $0x3  }
0x15: {  	v34 =	vshra.s32 v32, $0x1F  }
0x16: {  	v35 =	vshra.s32 v33, $0x1F;
	v34 =	vshrl.u32 v34, $0x1D  }
0x17: {  	v57 =	vshrl.u32 v35, $0x1D;
	v32 =	vadd.s32 v34, v32  }
0x18: {  	v33 =	vadd.s32 v57, v33;
	v32 =	vshra.s32 v32, $0x3  }
0x19: {  	v58 =	vshra.s32 v33, $0x3;
	[tilespmem:$0x80] =	vst v32  }
0x1a: {  	[tilespmem:$0x90] =	vst v58  }
0x1b: {  	[tilespmem:s10], [sflag:$0x1] =	stream.indirect.gather [hbm4b:s3+s8], $0x80, s9, s8, $0xb8;
	[tilespmem:$0x2100] =	vst v63  }
0x1c: {  	_ =	swait.ge [sflag:s11], $0x1000  }
0x1d: {  	[sflag:s11] =	ssyncset.done $0x0  }
0x1e: {  	[sflag:s11] =	ssyncadd.s32 $0xFFFFF000  }
0x1f: {  	v59 =	vld [tilespmem:$0x0];
	_ =	sdelay $0x4  }
0x20: {  	v60 =	vshra.s32 v59, $0x1F  }
0x21: {  	v33 =	vshrl.u32 v60, $0x1D  }
0x22: {  	v33 =	vadd.s32 v33, v59  }
0x23: {  	v33 =	vshrl.u32 v33, $0x3  }
0x24: {  	v33 =	vshll.u32 v33, $0x3  }
0x25: {  	v32 =	vsub.s32 v59, v33  }
0x26: {  	v32 =	vshll.u32 v32, $0x4  }
0x27: {  	v61 =	vadd.s32 v0, v32;
	_ =	sdelay $0x4  }
0x28: {  	v62 =	vld.idx.msk [tilespmem:v61+s10+$0x0], $0xffff  }
0x29: {  	v63 =	vor.u32 $0x1, v61;
	_ =	sdelay $0x3  }
0x2a: {  	[tilespmem:v0+s12+$0x0] =	vst.idx.msk $0xffff, v62  }
0x2b: {  	v34 =	vld.idx.msk [tilespmem:v63+s10+$0x0], $0xffff  }
0x2c: {  	v36 =	vor.u32 $0x2, v61;
	_ =	sdelay $0x3  }
0x2d: {  	[tilespmem:v1+s12+$0x0] =	vst.idx.msk $0xffff, v34  }
0x2e: {  	v34 =	vld.idx.msk [tilespmem:v36+s10+$0x0], $0xffff  }
0x2f: {  	v37 =	vor.u32 $0x3, v61;
	_ =	sdelay $0x3  }
0x30: {  	[tilespmem:v2+s12+$0x0] =	vst.idx.msk $0xffff, v34  }
0x31: {  	v34 =	vld.idx.msk [tilespmem:v37+s10+$0x0], $0xffff  }
0x32: {  	v38 =	vadd.s32 v4, v32;
	_ =	sdelay $0x3  }
0x33: {  	[tilespmem:v3+s12+$0x0] =	vst.idx.msk $0xffff, v34  }
0x34: {  	v34 =	vld.idx.msk [tilespmem:v38+s10+$0x0], $0xffff  }
0x35: {  	v39 =	vor.u32 $0x5, v61;
	_ =	sdelay $0x3  }
0x36: {  	[tilespmem:v4+s12+$0x0] =	vst.idx.msk $0xffff, v34  }
0x37: {  	v34 =	vld.idx.msk [tilespmem:v39+s10+$0x0], $0xffff  }
0x38: {  	v40 =	vor.u32 $0x6, v61;
	_ =	sdelay $0x3  }
0x39: {  	[tilespmem:v5+s12+$0x0] =	vst.idx.msk $0xffff, v34  }
0x3a: {  	v34 =	vld.idx.msk [tilespmem:v40+s10+$0x0], $0xffff  }
0x3b: {  	v41 =	vor.u32 $0x7, v61;
	_ =	sdelay $0x3  }
0x3c: {  	[tilespmem:v6+s12+$0x0] =	vst.idx.msk $0xffff, v34  }
0x3d: {  	v34 =	vld.idx.msk [tilespmem:v41+s10+$0x0], $0xffff  }
0x3e: {  	v32 =	vadd.s32 v8, v32;
	_ =	sdelay $0x3  }
0x3f: {  	[tilespmem:v7+s12+$0x0] =	vst.idx.msk $0xffff, v34  }
0x40: {  	v32 =	vld.idx.msk [tilespmem:v32+s10+$0x0], $0xffff  }
0x41: {  	v42 =	vor.u32 $0x9, v61;
	_ =	sdelay $0x3  }
0x42: {  	[tilespmem:v8+s12+$0x0] =	vst.idx.msk $0xffff, v32  }
0x43: {  	v32 =	vld.idx.msk [tilespmem:v42+s10+$0x0], $0xffff  }
0x44: {  	v43 =	vor.u32 $0xA, v61;
	_ =	sdelay $0x3  }
0x45: {  	[tilespmem:v9+s12+$0x0] =	vst.idx.msk $0xffff, v32  }
0x46: {  	v32 =	vld.idx.msk [tilespmem:v43+s10+$0x0], $0xffff  }
0x47: {  	v44 =	vor.u32 $0xB, v61;
	_ =	sdelay $0x3  }
0x48: {  	[tilespmem:v10+s12+$0x0] =	vst.idx.msk $0xffff, v32  }
0x49: {  	v32 =	vld.idx.msk [tilespmem:v44+s10+$0x0], $0xffff  }
0x4a: {  	v45 =	vor.u32 $0xC, v61;
	_ =	sdelay $0x3  }
0x4b: {  	[tilespmem:v11+s12+$0x0] =	vst.idx.msk $0xffff, v32  }
0x4c: {  	v32 =	vld.idx.msk [tilespmem:v45+s10+$0x0], $0xffff  }
0x4d: {  	v46 =	vor.u32 $0xD, v61;
	_ =	sdelay $0x3  }
0x4e: {  	[tilespmem:v12+s12+$0x0] =	vst.idx.msk $0xffff, v32  }
0x4f: {  	v32 =	vld.idx.msk [tilespmem:v46+s10+$0x0], $0xffff  }
0x50: {  	v47 =	vor.u32 $0xE, v61;
	_ =	sdelay $0x3  }
0x51: {  	[tilespmem:v13+s12+$0x0] =	vst.idx.msk $0xffff, v32  }
0x52: {  	v32 =	vld.idx.msk [tilespmem:v47+s10+$0x0], $0xffff  }
0x53: {  	v33 =	vor.u32 $0xF, v61;
	_ =	sdelay $0x3  }
0x54: {  	[tilespmem:v14+s12+$0x0] =	vst.idx.msk $0xffff, v32  }
0x55: {  	v32 =	vld.idx.msk [tilespmem:v33+s10+$0x0], $0xffff;
	_ =	sdelay $0x4  }
0x56: {  	[tilespmem:v15+s12+$0x0] =	vst.idx.msk $0xffff, v32  }
0x57: {  	v32 =	vld [tilespmem:$0x10];
	_ =	sdelay $0x4  }
0x58: {  	v48 =	vshra.s32 v32, $0x1F  }
0x59: {  	v33 =	vshrl.u32 v48, $0x1D  }
0x5a: {  	v33 =	vadd.s32 v33, v32  }
0x5b: {  	v33 =	vand.u32 $0xFFFFFFF8, v33  }
0x5c: {  	v32 =	vsub.s32 v32, v33  }
0x5d: {  	v32 =	vshll.u32 v32, $0x4  }
0x5e: {  	v49 =	vadd.s32 v16, v32;
	_ =	sdelay $0x4  }
0x5f: {  	v33 =	vld.idx.msk [tilespmem:v49+s10+$0x0], $0xffff  }
0x60: {  	v50 =	vadd.s32 v17, v32;
	_ =	sdelay $0x3  }
0x61: {  	[tilespmem:v16+s12+$0x0] =	vst.idx.msk $0xffff, v33  }
0x62: {  	v33 =	vld.idx.msk [tilespmem:v50+s10+$0x0], $0xffff  }
0x63: {  	v51 =	vadd.s32 v18, v32;
	_ =	sdelay $0x3  }
0x64: {  	[tilespmem:v17+s12+$0x0] =	vst.idx.msk $0xffff, v33  }
0x65: {  	v33 =	vld.idx.msk [tilespmem:v51+s10+$0x0], $0xffff  }
0x66: {  	v52 =	vadd.s32 v19, v32;
	_ =	sdelay $0x3  }
0x67: {  	[tilespmem:v18+s12+$0x0] =	vst.idx.msk $0xffff, v33  }
0x68: {  	v33 =	vld.idx.msk [tilespmem:v52+s10+$0x0], $0xffff  }
0x69: {  	v53 =	vadd.s32 v20, v32;
	_ =	sdelay $0x3  }
0x6a: {  	[tilespmem:v19+s12+$0x0] =	vst.idx.msk $0xffff, v33  }
0x6b: {  	v33 =	vld.idx.msk [tilespmem:v53+s10+$0x0], $0xffff  }
0x6c: {  	v54 =	vadd.s32 v21, v32;
	_ =	sdelay $0x3  }
0x6d: {  	[tilespmem:v20+s12+$0x0] =	vst.idx.msk $0xffff, v33  }
0x6e: {  	v33 =	vld.idx.msk [tilespmem:v54+s10+$0x0], $0xffff  }
0x6f: {  	v55 =	vadd.s32 v22, v32;
	_ =	sdelay $0x3  }
0x70: {  	[tilespmem:v21+s12+$0x0] =	vst.idx.msk $0xffff, v33  }
0x71: {  	v33 =	vld.idx.msk [tilespmem:v55+s10+$0x0], $0xffff  }
0x72: {  	v56 =	vadd.s32 v23, v32;
	_ =	sdelay $0x3  }
0x73: {  	[tilespmem:v22+s12+$0x0] =	vst.idx.msk $0xffff, v33  }
0x74: {  	v33 =	vld.idx.msk [tilespmem:v56+s10+$0x0], $0xffff  }
0x75: {  	v57 =	vadd.s32 v24, v32;
	_ =	sdelay $0x3  }
0x76: {  	[tilespmem:v23+s12+$0x0] =	vst.idx.msk $0xffff, v33  }
0x77: {  	v33 =	vld.idx.msk [tilespmem:v57+s10+$0x0], $0xffff  }
0x78: {  	v58 =	vadd.s32 v25, v32;
	_ =	sdelay $0x3  }
0x79: {  	[tilespmem:v24+s12+$0x0] =	vst.idx.msk $0xffff, v33  }
0x7a: {  	v33 =	vld.idx.msk [tilespmem:v58+s10+$0x0], $0xffff  }
0x7b: {  	v59 =	vadd.s32 v26, v32;
	_ =	sdelay $0x3  }
0x7c: {  	[tilespmem:v25+s12+$0x0] =	vst.idx.msk $0xffff, v33  }
0x7d: {  	v33 =	vld.idx.msk [tilespmem:v59+s10+$0x0], $0xffff  }
0x7e: {  	v60 =	vadd.s32 v27, v32;
	_ =	sdelay $0x3  }
0x7f: {  	[tilespmem:v26+s12+$0x0] =	vst.idx.msk $0xffff, v33  }
0x80: {  	v33 =	vld.idx.msk [tilespmem:v60+s10+$0x0], $0xffff  }
0x81: {  	v61 =	vadd.s32 v28, v32;
	_ =	sdelay $0x3  }
0x82: {  	[tilespmem:v27+s12+$0x0] =	vst.idx.msk $0xffff, v33  }
0x83: {  	v33 =	vld.idx.msk [tilespmem:v61+s10+$0x0], $0xffff  }
0x84: {  	v62 =	vadd.s32 v29, v32;
	_ =	sdelay $0x3  }
0x85: {  	[tilespmem:v28+s12+$0x0] =	vst.idx.msk $0xffff, v33  }
0x86: {  	v33 =	vld.idx.msk [tilespmem:v62+s10+$0x0], $0xffff  }
0x87: {  	v63 =	vadd.s32 v30, v32;
	_ =	sdelay $0x3  }
0x88: {  	[tilespmem:v29+s12+$0x0] =	vst.idx.msk $0xffff, v33  }
0x89: {  	v33 =	vld.idx.msk [tilespmem:v63+s10+$0x0], $0xffff  }
0x8a: {  	v32 =	vadd.s32 v31, v32;
	_ =	sdelay $0x3  }
0x8b: {  	[tilespmem:v30+s12+$0x0] =	vst.idx.msk $0xffff, v33  }
0x8c: {  	v32 =	vld.idx.msk [tilespmem:v32+s10+$0x0], $0xffff;
	_ =	sdelay $0x3  }
0x8d: {  	p0 =	sne.s32 s6, $0x1  }
.Ltmp0:
0x8e: {  	[tilespmem:v31+s12+$0x0] =	vst.idx.msk $0xffff, v32;
	(pc) =	sbr.rel @p0 .LBB2_1-.Ltmp0, $4  }
0x8f: {  	[hbm4b:s5+s1] =	stream.linear.scatter [tilespmem:s12], [sflag:$0x2], $0x1000, $0x38;
	[tilespmem:$0x2100] =	vst v63  }
0x90: {  	_ =	swait.ge [sflag:s7], $0x1000  }
0x91: {  	[sflag:s7] =	ssyncset.done $0x0  }
0x92: {  	s6 =	sadd.s32 $0xFFFFFFFF, s6;
	[sflag:s7] =	ssyncadd.s32 $0xFFFFF000  }
0x93: {  	_ =	sfence.sel $0x180000  }
0x94: {  	[bflag:$0x0] =	sbarrier.arrive $0xFFFF  }
0x95: {  	p0 =	sne.s32 s2, $0x0;
	_ =	strace $0x90000047  }
0x96: {  	s0 =	sadd.s32 @!p0 $0x100000, s0;
	[bflag:$0x2] =	sbarrier.arrive $0xFFFF  }
0x97: {  	[sflag:s0] =	ssyncadd.tile.s32 @!p0 $0x1;
	_ =	shalt  }
.Lfunc_end2:
_tile_overlayer_lowered:
.L_overlay_start_2:
0x98: {  	(tag) =	ssettag $0x2  }
0x99: {  	s0 =	rddreg [dreg:$0x0];
	s2 =	stileid.u32  }
0x9a: {  	s1 =	rddreg [dreg:$0x1];
	p0 =	sne.s32 s2, $0x0  }
0x9b: {  	s3 =	rddreg [dreg:$0x2];
	[bflag:$0x3] =	sbarrier.arrive $0xFFFF;
	s2 =	simm.s32 @!p0 $0x1C02  }
0x9c: {  	[timem:s3], [sflag:s2] =	dma.local @!p0 [hbm:s0], s1  }
0x9d: {  	s0 =	simm.s32 @!p0 $0x2  }
0x9e: {  	_ =	swait.ge @!p0 [sflag:s0], s1  }
0x9f: {  	s1 =	ssub.s32 @!p0 $0x0, s1;
	[sflag:s0] =	ssyncset.done @!p0 $0x0  }
0xa0: {  	[sflag:s0] =	ssyncadd.s32 @!p0 s1  }
0xa1: {  	[bflag:$0x3] =	sbarrier.arrive $0xFFFF  }
0xa2: {  	_ =	shalt  }

</sc_bundles>
